<compile_context>
chip_gen: v7x
topology: tpu7x:2x2x1
jax: 0.10.2.dev20260603
libtpu: 0.0.44.dev20260713+nightly
codegen_flags: <defaults>
</compile_context>

<pallas_src>
import jax
import jax.numpy as jnp
from jax.experimental import pallas as pl
from jax.experimental.pallas import tpu as pltpu

_KEEP_RATIO = 0.7
_ZSCORE_EPS = 1e-3
_EPS = 1e-6


def _stats_gate_kernel(x_ref, rm_ref, fm_ref, rs_ref, fs_ref, gate_ref,
                       ia_ref, *, n_sub, c, hw, kth):
    step = pl.program_id(0)
    nsteps = pl.num_programs(0)

    @pl.when(step == 0)
    def _init():
        ia_ref[...] = jnp.zeros_like(ia_ref)

    xb = x_ref[...]
    m = jnp.sum(xb, axis=1, keepdims=True) * (1.0 / hw)
    rm = rm_ref[...]
    fm = fm_ref[...]
    rs = rs_ref[...]
    fs = fs_ref[...]
    disc = jnp.abs(fm - rm)
    acc = jnp.zeros((c, 1), jnp.float32)
    for i in range(n_sub):
        mi = m[i * c:(i + 1) * c, :]
        zr = jnp.abs((mi - rm) / (rs + _ZSCORE_EPS))
        zf = jnp.abs((mi - fm) / (fs + _ZSCORE_EPS))
        acc = acc + disc / (jnp.minimum(zr, zf) + _EPS)
    ia_ref[...] += acc

    @pl.when(step == nsteps - 1)
    def _gate():
        total_b = nsteps * n_sub
        v = ia_ref[...] * (1.0 / total_b)
        ones = jnp.ones((c, 1), jnp.float32)
        m1 = jax.lax.dot_general(ones, v, (((1,), (1,)), ((), ())),
                                 preferred_element_type=jnp.float32)
        m2 = jnp.broadcast_to(v, (c, c))
        cnt = jnp.sum((m1 <= m2).astype(jnp.float32), axis=1, keepdims=True)
        gate_ref[...] = (cnt >= float(kth + 1)).astype(jnp.float32)


def _mul_kernel(x_ref, gate_ref, out_ref, *, n_sub, c):
    g = gate_ref[...]
    for i in range(n_sub):
        out_ref[i * c:(i + 1) * c, :] = x_ref[i * c:(i + 1) * c, :] * g


def kernel(x, real_mean, fake_mean, real_std, fake_std):
    B, C, H, W = x.shape
    HW = H * W
    kth = max(0, min(int((1.0 - _KEEP_RATIO) * C), C - 1))

    x2 = x.reshape(B * C, HW)
    rm = real_mean.reshape(C, 1)
    fm = fake_mean.reshape(C, 1)
    rs = real_std.reshape(C, 1)
    fs = fake_std.reshape(C, 1)

    n_sub = 4
    grid = (B // n_sub,)
    rows = n_sub * C

    import functools
    stats_fn = functools.partial(_stats_gate_kernel, n_sub=n_sub, c=C, hw=HW,
                                 kth=kth)
    gate = pl.pallas_call(
        stats_fn,
        grid=grid,
        in_specs=[
            pl.BlockSpec((rows, HW), lambda i: (i, 0)),
            pl.BlockSpec((C, 1), lambda i: (0, 0)),
            pl.BlockSpec((C, 1), lambda i: (0, 0)),
            pl.BlockSpec((C, 1), lambda i: (0, 0)),
            pl.BlockSpec((C, 1), lambda i: (0, 0)),
        ],
        out_shape=jax.ShapeDtypeStruct((C, 1), jnp.float32),
        out_specs=pl.BlockSpec((C, 1), lambda i: (0, 0)),
        scratch_shapes=[pltpu.VMEM((C, 1), jnp.float32)],
    )(x2, rm, fm, rs, fs)

    mul_fn = functools.partial(_mul_kernel, n_sub=n_sub, c=C)
    out2 = pl.pallas_call(
        mul_fn,
        grid=grid,
        in_specs=[
            pl.BlockSpec((rows, HW), lambda i: (i, 0)),
            pl.BlockSpec((C, 1), lambda i: (0, 0)),
        ],
        out_shape=jax.ShapeDtypeStruct((B * C, HW), jnp.float32),
        out_specs=pl.BlockSpec((rows, HW), lambda i: (i, 0)),
    )(x2, gate)

    return out2.reshape(B, C, H, W), gate.reshape(C)

# --- scband reference (transcript-rebuilt; emitter-appended) ---
"""Pipeline reference for scband-robust-channel-gating-73495480369734 (READ-ONLY COPY).

The authoritative reference and input builder live on the scoring server;
editing this copy changes nothing except your own understanding.
"""

import jax, jax.numpy as jnp
import numpy as np

KEEP_RATIO = 0.7
ZSCORE_EPS = 1e-3
EPS = 1e-6


def setup_inputs(seed: int = 0) -> dict:
    key = jax.random.key(seed)
    k1, k2, k3, k4, k5 = jax.random.split(key, 5)
    B, C, H, W = 32, 768, 24, 24
    x = jax.random.normal(k1, (B, C, H, W), dtype=jnp.float32)
    # separated_stats buffers (per-channel reference statistics from calibration)
    real_mean = jax.random.normal(k2, (C,), dtype=jnp.float32)
    fake_mean = jax.random.normal(k3, (C,), dtype=jnp.float32)
    real_std = jax.random.uniform(k4, (C,), dtype=jnp.float32, minval=0.5, maxval=1.5)
    fake_std = jax.random.uniform(k5, (C,), dtype=jnp.float32, minval=0.5, maxval=1.5)
    return {"x": x, "real_mean": real_mean, "fake_mean": fake_mean,
            "real_std": real_std, "fake_std": fake_std}


def reference(x, real_mean, fake_mean, real_std, fake_std):
    # compute_robustness
    curr_mean = x.mean(axis=(2, 3))  # [B, C]
    z_real = jnp.abs((curr_mean - real_mean[None, :]) / (real_std[None, :] + ZSCORE_EPS))
    z_fake = jnp.abs((curr_mean - fake_mean[None, :]) / (fake_std[None, :] + ZSCORE_EPS))
    robustness = jnp.minimum(z_real, z_fake)  # method 'min'
    # importance ('div')
    disc = jnp.abs(fake_mean - real_mean)[None, :]  # artifact_discriminability
    importance = disc / (robustness + EPS)
    importance_agg = importance.mean(axis=0)  # [C]
    C = importance_agg.shape[0]
    k = int((1.0 - KEEP_RATIO) * C)
    k = max(0, min(k, C - 1))
    if k == 0:
        threshold = importance_agg.min() - 1.0
    else:
        # torch.kthvalue(v, k+1) == (k+1)-th smallest == sorted[k] (0-indexed)
        threshold = jnp.sort(importance_agg)[k]
    # hard gating
    gate = (importance_agg >= threshold).astype(jnp.float32)  # [C]
    x_gated = x * gate.reshape(1, -1, 1, 1)
    return (x_gated, gate)

if __name__ == "__main__":
    import jax
    _d = setup_inputs()
    print(jax.jit(kernel)(*tuple(_d.values())))

</pallas_src>

<mosaic_0001>
module attributes {stable_mosaic.version = 14 : i64} {
  func.func @_stats_gate_kernel(%arg0: i32, %arg1: memref<3072x576xf32, #tpu.memory_space<vmem>>, %arg2: memref<768x1xf32, #tpu.memory_space<vmem>>, %arg3: memref<768x1xf32, #tpu.memory_space<vmem>>, %arg4: memref<768x1xf32, #tpu.memory_space<vmem>>, %arg5: memref<768x1xf32, #tpu.memory_space<vmem>>, %arg6: memref<768x1xf32, #tpu.memory_space<vmem>>, %arg7: memref<768x1xf32, #tpu.memory_space<vmem>>) attributes {dimension_semantics = [#tpu.dimension_semantics<arbitrary>], iteration_bounds = array<i64: 8>, scalar_prefetch = 0 : i64, scratch_operands = 1 : i64, tpu.core_type = #tpu.core_type<tc>, window_params = [{transform_indices = @transform_0, window_bounds = array<i64: 3072, 576>}, {pipeline_mode = #tpu.pipeline_mode<synchronous>, transform_indices = @transform_1, window_bounds = array<i64: 768, 1>}, {pipeline_mode = #tpu.pipeline_mode<synchronous>, transform_indices = @transform_2, window_bounds = array<i64: 768, 1>}, {pipeline_mode = #tpu.pipeline_mode<synchronous>, transform_indices = @transform_3, window_bounds = array<i64: 768, 1>}, {pipeline_mode = #tpu.pipeline_mode<synchronous>, transform_indices = @transform_4, window_bounds = array<i64: 768, 1>}, {pipeline_mode = #tpu.pipeline_mode<synchronous>, transform_indices = @transform_5, window_bounds = array<i64: 768, 1>}]} {
    %eq3A = arith.constant 0 : i32
    %eq3A_0 = arith.cmpi eq, %arg0, %eq3A : i32
    %convert_element_type3A = arith.extui %eq3A_0 : i1 to i32
    %cond3A = arith.constant 0 : i32
    %cond3A_1 = arith.cmpi ne, %convert_element_type3A, %cond3A : i32
    scf.if %cond3A_1 {
      %broadcast_in_dim3A_104 = arith.constant 0.000000e+00 : f32
      %broadcast_in_dim3A_105 = vector.broadcast %broadcast_in_dim3A_104 : f32 to vector<768x1xf32>
      %swap3A_106 = arith.constant 0 : index
      %swap3A_107 = arith.constant 0 : index
      %swap3A_108 = vector.load %arg7[%swap3A_106, %swap3A_107] : memref<768x1xf32, #tpu.memory_space<vmem>>, vector<768x1xf32>
      tpu.vector_store %arg7[%swap3A_106, %swap3A_107], %broadcast_in_dim3A_105 {strides = array<i32>} : memref<768x1xf32, #tpu.memory_space<vmem>>, vector<768x1xf32>,
    } else {
    }
    %get3A = arith.constant 0 : index
    %get3A_2 = arith.constant 0 : index
    %get3A_3 = vector.load %arg1[%get3A, %get3A_2] : memref<3072x576xf32, #tpu.memory_space<vmem>>, vector<3072x576xf32>
    %reduce_sum3A = arith.constant dense<0.000000e+00> : vector<3072xf32>
    %reduce_sum3A_4 = vector.multi_reduction <add>, %get3A_3, %reduce_sum3A [1] : vector<3072x576xf32> to vector<3072xf32>
    %broadcast_in_dim3A = vector.shape_cast %reduce_sum3A_4 : vector<3072xf32> to vector<3072x1xf32>
    %mul3A = arith.constant 0.00173611112 : f32
    %mul3A_5 = vector.broadcast %mul3A : f32 to vector<3072x1xf32>
    %mul3A_6 = arith.mulf %broadcast_in_dim3A, %mul3A_5 : vector<3072x1xf32>
    %get3A_7 = arith.constant 0 : index
    %get3A_8 = arith.constant 0 : index
    %get3A_9 = vector.load %arg2[%get3A_7, %get3A_8] : memref<768x1xf32, #tpu.memory_space<vmem>>, vector<768x1xf32>
    %get3A_10 = arith.constant 0 : index
    %get3A_11 = arith.constant 0 : index
    %get3A_12 = vector.load %arg3[%get3A_10, %get3A_11] : memref<768x1xf32, #tpu.memory_space<vmem>>, vector<768x1xf32>
    %get3A_13 = arith.constant 0 : index
    %get3A_14 = arith.constant 0 : index
    %get3A_15 = vector.load %arg4[%get3A_13, %get3A_14] : memref<768x1xf32, #tpu.memory_space<vmem>>, vector<768x1xf32>
    %get3A_16 = arith.constant 0 : index
    %get3A_17 = arith.constant 0 : index
    %get3A_18 = vector.load %arg5[%get3A_16, %get3A_17] : memref<768x1xf32, #tpu.memory_space<vmem>>, vector<768x1xf32>
    %sub3A = arith.subf %get3A_12, %get3A_9 : vector<768x1xf32>
    %abs3A = math.absf %sub3A : vector<768x1xf32>
    %broadcast_in_dim3A_19 = arith.constant 0.000000e+00 : f32
    %broadcast_in_dim3A_20 = vector.broadcast %broadcast_in_dim3A_19 : f32 to vector<768x1xf32>
    %slice3A = vector.extract_strided_slice %mul3A_6 {offsets = [0, 0], sizes = [768, 1], strides = [1, 1]} : vector<3072x1xf32> to vector<768x1xf32>
    %sub3A_21 = arith.subf %slice3A, %get3A_9 : vector<768x1xf32>
    %add3A = arith.constant 1.000000e-03 : f32
    %add3A_22 = vector.broadcast %add3A : f32 to vector<768x1xf32>
    %add3A_23 = arith.addf %get3A_15, %add3A_22 : vector<768x1xf32>
    %div3A = arith.divf %sub3A_21, %add3A_23 : vector<768x1xf32>
    %abs3A_24 = math.absf %div3A : vector<768x1xf32>
    %sub3A_25 = arith.subf %slice3A, %get3A_12 : vector<768x1xf32>
    %add3A_26 = arith.constant 1.000000e-03 : f32
    %add3A_27 = vector.broadcast %add3A_26 : f32 to vector<768x1xf32>
    %add3A_28 = arith.addf %get3A_18, %add3A_27 : vector<768x1xf32>
    %div3A_29 = arith.divf %sub3A_25, %add3A_28 : vector<768x1xf32>
    %abs3A_30 = math.absf %div3A_29 : vector<768x1xf32>
    %min3A = arith.minimumf %abs3A_24, %abs3A_30 : vector<768x1xf32>
    %add3A_31 = arith.constant 9.99999997E-7 : f32
    %add3A_32 = vector.broadcast %add3A_31 : f32 to vector<768x1xf32>
    %add3A_33 = arith.addf %min3A, %add3A_32 : vector<768x1xf32>
    %div3A_34 = arith.divf %abs3A, %add3A_33 : vector<768x1xf32>
    %add3A_35 = arith.addf %broadcast_in_dim3A_20, %div3A_34 : vector<768x1xf32>
    %slice3A_36 = vector.extract_strided_slice %mul3A_6 {offsets = [768, 0], sizes = [768, 1], strides = [1, 1]} : vector<3072x1xf32> to vector<768x1xf32>
    %sub3A_37 = arith.subf %slice3A_36, %get3A_9 : vector<768x1xf32>
    %add3A_38 = arith.constant 1.000000e-03 : f32
    %add3A_39 = vector.broadcast %add3A_38 : f32 to vector<768x1xf32>
    %add3A_40 = arith.addf %get3A_15, %add3A_39 : vector<768x1xf32>
    %div3A_41 = arith.divf %sub3A_37, %add3A_40 : vector<768x1xf32>
    %abs3A_42 = math.absf %div3A_41 : vector<768x1xf32>
    %sub3A_43 = arith.subf %slice3A_36, %get3A_12 : vector<768x1xf32>
    %add3A_44 = arith.constant 1.000000e-03 : f32
    %add3A_45 = vector.broadcast %add3A_44 : f32 to vector<768x1xf32>
    %add3A_46 = arith.addf %get3A_18, %add3A_45 : vector<768x1xf32>
    %div3A_47 = arith.divf %sub3A_43, %add3A_46 : vector<768x1xf32>
    %abs3A_48 = math.absf %div3A_47 : vector<768x1xf32>
    %min3A_49 = arith.minimumf %abs3A_42, %abs3A_48 : vector<768x1xf32>
    %add3A_50 = arith.constant 9.99999997E-7 : f32
    %add3A_51 = vector.broadcast %add3A_50 : f32 to vector<768x1xf32>
    %add3A_52 = arith.addf %min3A_49, %add3A_51 : vector<768x1xf32>
    %div3A_53 = arith.divf %abs3A, %add3A_52 : vector<768x1xf32>
    %add3A_54 = arith.addf %add3A_35, %div3A_53 : vector<768x1xf32>
    %slice3A_55 = vector.extract_strided_slice %mul3A_6 {offsets = [1536, 0], sizes = [768, 1], strides = [1, 1]} : vector<3072x1xf32> to vector<768x1xf32>
    %sub3A_56 = arith.subf %slice3A_55, %get3A_9 : vector<768x1xf32>
    %add3A_57 = arith.constant 1.000000e-03 : f32
    %add3A_58 = vector.broadcast %add3A_57 : f32 to vector<768x1xf32>
    %add3A_59 = arith.addf %get3A_15, %add3A_58 : vector<768x1xf32>
    %div3A_60 = arith.divf %sub3A_56, %add3A_59 : vector<768x1xf32>
    %abs3A_61 = math.absf %div3A_60 : vector<768x1xf32>
    %sub3A_62 = arith.subf %slice3A_55, %get3A_12 : vector<768x1xf32>
    %add3A_63 = arith.constant 1.000000e-03 : f32
    %add3A_64 = vector.broadcast %add3A_63 : f32 to vector<768x1xf32>
    %add3A_65 = arith.addf %get3A_18, %add3A_64 : vector<768x1xf32>
    %div3A_66 = arith.divf %sub3A_62, %add3A_65 : vector<768x1xf32>
    %abs3A_67 = math.absf %div3A_66 : vector<768x1xf32>
    %min3A_68 = arith.minimumf %abs3A_61, %abs3A_67 : vector<768x1xf32>
    %add3A_69 = arith.constant 9.99999997E-7 : f32
    %add3A_70 = vector.broadcast %add3A_69 : f32 to vector<768x1xf32>
    %add3A_71 = arith.addf %min3A_68, %add3A_70 : vector<768x1xf32>
    %div3A_72 = arith.divf %abs3A, %add3A_71 : vector<768x1xf32>
    %add3A_73 = arith.addf %add3A_54, %div3A_72 : vector<768x1xf32>
    %slice3A_74 = vector.extract_strided_slice %mul3A_6 {offsets = [2304, 0], sizes = [768, 1], strides = [1, 1]} : vector<3072x1xf32> to vector<768x1xf32>
    %sub3A_75 = arith.subf %slice3A_74, %get3A_9 : vector<768x1xf32>
    %add3A_76 = arith.constant 1.000000e-03 : f32
    %add3A_77 = vector.broadcast %add3A_76 : f32 to vector<768x1xf32>
    %add3A_78 = arith.addf %get3A_15, %add3A_77 : vector<768x1xf32>
    %div3A_79 = arith.divf %sub3A_75, %add3A_78 : vector<768x1xf32>
    %abs3A_80 = math.absf %div3A_79 : vector<768x1xf32>
    %sub3A_81 = arith.subf %slice3A_74, %get3A_12 : vector<768x1xf32>
    %add3A_82 = arith.constant 1.000000e-03 : f32
    %add3A_83 = vector.broadcast %add3A_82 : f32 to vector<768x1xf32>
    %add3A_84 = arith.addf %get3A_18, %add3A_83 : vector<768x1xf32>
    %div3A_85 = arith.divf %sub3A_81, %add3A_84 : vector<768x1xf32>
    %abs3A_86 = math.absf %div3A_85 : vector<768x1xf32>
    %min3A_87 = arith.minimumf %abs3A_80, %abs3A_86 : vector<768x1xf32>
    %add3A_88 = arith.constant 9.99999997E-7 : f32
    %add3A_89 = vector.broadcast %add3A_88 : f32 to vector<768x1xf32>
    %add3A_90 = arith.addf %min3A_87, %add3A_89 : vector<768x1xf32>
    %div3A_91 = arith.divf %abs3A, %add3A_90 : vector<768x1xf32>
    %add3A_92 = arith.addf %add3A_73, %div3A_91 : vector<768x1xf32>
    %get3A_93 = arith.constant 0 : index
    %get3A_94 = arith.constant 0 : index
    %get3A_95 = vector.load %arg7[%get3A_93, %get3A_94] : memref<768x1xf32, #tpu.memory_space<vmem>>, vector<768x1xf32>
    %add3A_96 = arith.addf %get3A_95, %add3A_92 : vector<768x1xf32>
    %swap3A = arith.constant 0 : index
    %swap3A_97 = arith.constant 0 : index
    %swap3A_98 = vector.load %arg7[%swap3A, %swap3A_97] : memref<768x1xf32, #tpu.memory_space<vmem>>, vector<768x1xf32>
    tpu.vector_store %arg7[%swap3A, %swap3A_97], %add3A_96 {strides = array<i32>} : memref<768x1xf32, #tpu.memory_space<vmem>>, vector<768x1xf32>,
    %eq3A_99 = arith.constant 7 : i32
    %eq3A_100 = arith.cmpi eq, %arg0, %eq3A_99 : i32
    %convert_element_type3A_101 = arith.extui %eq3A_100 : i1 to i32
    %cond3A_102 = arith.constant 0 : i32
    %cond3A_103 = arith.cmpi ne, %convert_element_type3A_101, %cond3A_102 : i32
    scf.if %cond3A_103 {
      %get3A_104 = arith.constant 0 : index
      %get3A_105 = arith.constant 0 : index
      %get3A_106 = vector.load %arg7[%get3A_104, %get3A_105] : memref<768x1xf32, #tpu.memory_space<vmem>>, vector<768x1xf32>
      %mul3A_107 = arith.constant 3.125000e-02 : f32
      %mul3A_108 = vector.broadcast %mul3A_107 : f32 to vector<768x1xf32>
      %mul3A_109 = arith.mulf %get3A_106, %mul3A_108 : vector<768x1xf32>
      %broadcast_in_dim3A_110 = arith.constant 1.000000e+00 : f32
      %broadcast_in_dim3A_111 = vector.broadcast %broadcast_in_dim3A_110 : f32 to vector<768x1xf32>
      %dot_general3A = arith.constant dense<0.000000e+00> : vector<768x768xf32>
      %dot_general3A_112 = tpu.matmul %broadcast_in_dim3A_111, %mul3A_109, %dot_general3A {dimension_numbers = #tpu.dot_dimension_numbers<[1], [1], [0], [0], [0, 0, 1, 0], [], []>, transpose_lhs_hint = false} : vector<768x1xf32>, vector<768x1xf32>, vector<768x768xf32> -> vector<768x768xf32>
      %broadcast_in_dim3A_113 = vector.shape_cast %mul3A_109 : vector<768x1xf32> to vector<768x1xf32>
      %broadcast_in_dim3A_114 = vector.broadcast %broadcast_in_dim3A_113 : vector<768x1xf32> to vector<768x768xf32>
      %le3A = arith.cmpf ole, %dot_general3A_112, %broadcast_in_dim3A_114 : vector<768x768xf32>
      %convert_element_type3A_115 = arith.extui %le3A : vector<768x768xi1> to vector<768x768xi32>
      %convert_element_type3A_116 = arith.sitofp %convert_element_type3A_115 : vector<768x768xi32> to vector<768x768xf32>
      %reduce_sum3A_117 = arith.constant dense<0.000000e+00> : vector<768xf32>
      %reduce_sum3A_118 = vector.multi_reduction <add>, %convert_element_type3A_116, %reduce_sum3A_117 [1] : vector<768x768xf32> to vector<768xf32>
      %broadcast_in_dim3A_119 = vector.shape_cast %reduce_sum3A_118 : vector<768xf32> to vector<768x1xf32>
      %ge3A = arith.constant 2.310000e+02 : f32
      %ge3A_120 = vector.broadcast %ge3A : f32 to vector<768x1xf32>
      %ge3A_121 = arith.cmpf oge, %broadcast_in_dim3A_119, %ge3A_120 : vector<768x1xf32>
      %convert_element_type3A_122 = arith.extui %ge3A_121 : vector<768x1xi1> to vector<768x1xi32>
      %convert_element_type3A_123 = arith.sitofp %convert_element_type3A_122 : vector<768x1xi32> to vector<768x1xf32>
      %swap3A_124 = arith.constant 0 : index
      %swap3A_125 = arith.constant 0 : index
      %swap3A_126 = vector.load %arg6[%swap3A_124, %swap3A_125] : memref<768x1xf32, #tpu.memory_space<vmem>>, vector<768x1xf32>
      tpu.vector_store %arg6[%swap3A_124, %swap3A_125], %convert_element_type3A_123 {strides = array<i32>} : memref<768x1xf32, #tpu.memory_space<vmem>>, vector<768x1xf32>,
    } else {
    }
    return
  }
  func.func @transform_0(%arg0: i32) -> (i32, i32) {
    %c0_i32 = arith.constant 0 : i32
    %c0_i32_0 = arith.constant 0 : i32
    return %arg0, %c0_i32 : i32, i32
  }
  func.func @transform_1(%arg0: i32) -> (i32, i32) {
    %c0_i32 = arith.constant 0 : i32
    %c0_i32_0 = arith.constant 0 : i32
    %c0_i32_1 = arith.constant 0 : i32
    return %c0_i32, %c0_i32_0 : i32, i32
  }
  func.func @transform_2(%arg0: i32) -> (i32, i32) {
    %c0_i32 = arith.constant 0 : i32
    %c0_i32_0 = arith.constant 0 : i32
    %c0_i32_1 = arith.constant 0 : i32
    return %c0_i32, %c0_i32_0 : i32, i32
  }
  func.func @transform_3(%arg0: i32) -> (i32, i32) {
    %c0_i32 = arith.constant 0 : i32
    %c0_i32_0 = arith.constant 0 : i32
    %c0_i32_1 = arith.constant 0 : i32
    return %c0_i32, %c0_i32_0 : i32, i32
  }
  func.func @transform_4(%arg0: i32) -> (i32, i32) {
    %c0_i32 = arith.constant 0 : i32
    %c0_i32_0 = arith.constant 0 : i32
    %c0_i32_1 = arith.constant 0 : i32
    return %c0_i32, %c0_i32_0 : i32, i32
  }
  func.func @transform_5(%arg0: i32) -> (i32, i32) {
    %c0_i32 = arith.constant 0 : i32
    %c0_i32_0 = arith.constant 0 : i32
    %c0_i32_1 = arith.constant 0 : i32
    return %c0_i32, %c0_i32_0 : i32, i32
  }
}

module attributes {stable_mosaic.version = 14 : i64} {
  func.func @_mul_kernel(%arg0: i32, %arg1: memref<3072x576xf32, #tpu.memory_space<vmem>>, %arg2: memref<768x1xf32, #tpu.memory_space<vmem>>, %arg3: memref<3072x576xf32, #tpu.memory_space<vmem>>) attributes {dimension_semantics = [#tpu.dimension_semantics<arbitrary>], iteration_bounds = array<i64: 8>, scalar_prefetch = 0 : i64, scratch_operands = 0 : i64, tpu.core_type = #tpu.core_type<tc>, window_params = [{transform_indices = @transform_0, window_bounds = array<i64: 3072, 576>}, {pipeline_mode = #tpu.pipeline_mode<synchronous>, transform_indices = @transform_1, window_bounds = array<i64: 768, 1>}, {transform_indices = @transform_2, window_bounds = array<i64: 3072, 576>}]} {
    %get3A = arith.constant 0 : index
    %get3A_0 = arith.constant 0 : index
    %get3A_1 = vector.load %arg2[%get3A, %get3A_0] : memref<768x1xf32, #tpu.memory_space<vmem>>, vector<768x1xf32>
    %get3A_2 = arith.constant 0 : index
    %get3A_3 = arith.constant 0 : index
    %get3A_4 = vector.load %arg1[%get3A_2, %get3A_3] : memref<3072x576xf32, #tpu.memory_space<vmem>>, vector<768x576xf32>
    %mul3A = vector.broadcast %get3A_1 : vector<768x1xf32> to vector<768x576xf32>
    %mul3A_5 = arith.mulf %get3A_4, %mul3A : vector<768x576xf32>
    %swap3A = arith.constant 0 : index
    %swap3A_6 = arith.constant 0 : index
    %swap3A_7 = vector.load %arg3[%swap3A, %swap3A_6] : memref<3072x576xf32, #tpu.memory_space<vmem>>, vector<768x576xf32>
    tpu.vector_store %arg3[%swap3A, %swap3A_6], %mul3A_5 {strides = array<i32>} : memref<3072x576xf32, #tpu.memory_space<vmem>>, vector<768x576xf32>,
    %get3A_8 = arith.constant 768 : index
    %get3A_9 = arith.constant 0 : index
    %get3A_10 = vector.load %arg1[%get3A_8, %get3A_9] : memref<3072x576xf32, #tpu.memory_space<vmem>>, vector<768x576xf32>
    %mul3A_11 = vector.broadcast %get3A_1 : vector<768x1xf32> to vector<768x576xf32>
    %mul3A_12 = arith.mulf %get3A_10, %mul3A_11 : vector<768x576xf32>
    %swap3A_13 = arith.constant 768 : index
    %swap3A_14 = arith.constant 0 : index
    %swap3A_15 = vector.load %arg3[%swap3A_13, %swap3A_14] : memref<3072x576xf32, #tpu.memory_space<vmem>>, vector<768x576xf32>
    tpu.vector_store %arg3[%swap3A_13, %swap3A_14], %mul3A_12 {strides = array<i32>} : memref<3072x576xf32, #tpu.memory_space<vmem>>, vector<768x576xf32>,
    %get3A_16 = arith.constant 1536 : index
    %get3A_17 = arith.constant 0 : index
    %get3A_18 = vector.load %arg1[%get3A_16, %get3A_17] : memref<3072x576xf32, #tpu.memory_space<vmem>>, vector<768x576xf32>
    %mul3A_19 = vector.broadcast %get3A_1 : vector<768x1xf32> to vector<768x576xf32>
    %mul3A_20 = arith.mulf %get3A_18, %mul3A_19 : vector<768x576xf32>
    %swap3A_21 = arith.constant 1536 : index
    %swap3A_22 = arith.constant 0 : index
    %swap3A_23 = vector.load %arg3[%swap3A_21, %swap3A_22] : memref<3072x576xf32, #tpu.memory_space<vmem>>, vector<768x576xf32>
    tpu.vector_store %arg3[%swap3A_21, %swap3A_22], %mul3A_20 {strides = array<i32>} : memref<3072x576xf32, #tpu.memory_space<vmem>>, vector<768x576xf32>,
    %get3A_24 = arith.constant 2304 : index
    %get3A_25 = arith.constant 0 : index
    %get3A_26 = vector.load %arg1[%get3A_24, %get3A_25] : memref<3072x576xf32, #tpu.memory_space<vmem>>, vector<768x576xf32>
    %mul3A_27 = vector.broadcast %get3A_1 : vector<768x1xf32> to vector<768x576xf32>
    %mul3A_28 = arith.mulf %get3A_26, %mul3A_27 : vector<768x576xf32>
    %swap3A_29 = arith.constant 2304 : index
    %swap3A_30 = arith.constant 0 : index
    %swap3A_31 = vector.load %arg3[%swap3A_29, %swap3A_30] : memref<3072x576xf32, #tpu.memory_space<vmem>>, vector<768x576xf32>
    tpu.vector_store %arg3[%swap3A_29, %swap3A_30], %mul3A_28 {strides = array<i32>} : memref<3072x576xf32, #tpu.memory_space<vmem>>, vector<768x576xf32>,
    return
  }
  func.func @transform_0(%arg0: i32) -> (i32, i32) {
    %c0_i32 = arith.constant 0 : i32
    %c0_i32_0 = arith.constant 0 : i32
    return %arg0, %c0_i32 : i32, i32
  }
  func.func @transform_1(%arg0: i32) -> (i32, i32) {
    %c0_i32 = arith.constant 0 : i32
    %c0_i32_0 = arith.constant 0 : i32
    %c0_i32_1 = arith.constant 0 : i32
    return %c0_i32, %c0_i32_0 : i32, i32
  }
  func.func @transform_2(%arg0: i32) -> (i32, i32) {
    %c0_i32 = arith.constant 0 : i32
    %c0_i32_0 = arith.constant 0 : i32
    return %arg0, %c0_i32 : i32, i32
  }
}

</mosaic_0001>

<sc_bundles>
// kernel: sparse-core-data-format-call.1.cloned.1.call-start
scs
called_computation.1_lowered:
.L_overlay_start_0:
0x0: {  	s2 =	sld [smem:$0x3FD9]  }
0x1: {  	s3 =	sld [smem:$0x3FFE];
	_ =	sdelay $0x1  }
0x2: {  	s1 =	srdreg.scid  }
0x3: {  	s0 =	sand.u32 $0x1, s1  }
0x4: {  	s15 =	sshll.u32 s0, $0xA;
	s2 =	sadd.s32 s3, s2  }
0x5: {  	s2 =	sadd.s32 s2, s15  }
0x6: {  	[smem:$0x3FC3] =	sst s2  }
0x7: {  	_ = 	snop  }
0x8: {  	s2 =	sld [smem:$0x3FD0];
	_ =	sdelay $0x2  }
0x9: {  	s16 =	simm.s32 $0xA;
	s4 =	simm.s32 $0x10  }
0xa: {  	[smem:s4], [sflag:s16] =	dma.local [hbm:s2], $0x1  }
0xb: {  	_ =	swait.eq [sflag:s16], $0x1  }
0xc: {  	[sflag:s16] =	ssyncset.done $0x0  }
0xd: {  	[sflag:s16] =	ssyncadd.s32 $0xFFFFFFFF  }
0xe: {  	s17 =	sld [smem:$0x10];
	(tm) =	ssettm $0x1  }
0xf: {  	s18 =	sld [smem:$0x3FFB];
	_ =	sdelay $0x3  }
0x10: {  	_ =	strace s18  }
0x11: {  	s3 =	sld [smem:$0x3FFC];
	_ =	sdelay $0x3  }
0x12: {  	_ =	strace s3  }
0x13: {  	s3 =	sld [smem:$0x3FFD];
	_ =	sdelay $0x3  }
0x14: {  	_ =	strace s3  }
0x15: {  	_ =	strace $0x8FFFFFFF  }
0x16: {  	s19 =	sld [smem:$0x3FDB];
	_ =	sdelay $0x1  }
0x17: {  	s20 =	simm.s32 $_scs_section_size  }
0x18: {  	s5 =	simm.s32 $_size__tile_overlayer_lowered;
	s6 =	simm.s32 $_tile_overlayer_lowered  }
0x19: {  	s23 =	simm.s32 $0x1BFF;
	s22 =	sshll.u32 s6, $0x1;
	s3 =	sadd.s32 s20, s19  }
0x1a: {  	s7 =	simm.s32 $0x0;
	s21 =	sshll.u32 s5, $0x1;
	s5 =	sadd.s32 s22, s3  }
0x1b: {  	[timem:s7], [sflag:s23] =	dma.local [hbm:s5], s21  }
0x1c: {  	_ =	swait.ge [sflag:s23], s21  }
0x1d: {  	s4 =	ssub.s32 $0x0, s21;
	[sflag:s23] =	ssyncset.done $0x0  }
0x1e: {  	[sflag:s23] =	ssyncadd.s32 s4;
	_ =	sdelay $0x1  }
0x1f: {  	s24 =	simm.s32 $0x1B8B  }
0x20: {  	_ =	swait.ge [sflag:s24], $0x1  }
0x21: {  	[sflag:s24] =	ssyncset.done $0x0  }
0x22: {  	s26 =	simm.s32 $0x1B8E;
	s25 =	sld [smem:$0x3FFE];
	[sflag:s24] =	ssyncadd.s32 $0xFFFFFFFF  }
0x23: {  	s27 =	simm.s32 $execute0_lowered;
	[smem:$0x3FD2] =	sst s26  }
0x24: {  	s5 =	sshll.u32 s27, $0x1;
	_ =	strace $0x80000049;
	[dreg:$0x1] =	wrdreg $0xFFFFFFFF  }
0x25: {  	s28 =	simm.s32 $_size_execute0_lowered;
	s3 =	sadd.s32 s3, s5;
	[dreg:$0x0] =	wrdreg $0x0  }
0x26: {  	s5 =	sshll.u32 s28, $0x1;
	[dreg:$0x2] =	wrdreg s3  }
0x27: {  	[dreg:$0x3] =	wrdreg s5  }
0x28: {  	[dreg:$0x4] =	wrdreg $0xC0  }
0x29: {  	_ =	task [dreg:s7], $0x5FFFF  }
0x2a: {  	[dreg:$0x1] =	wrdreg $0xFFFFFFFF  }
0x2b: {  	[dreg:$0x0] =	wrdreg $0x60  }
0x2c: {  	[dreg:$0x2] =	wrdreg s17  }
0x2d: {  	[dreg:$0x3] =	wrdreg s25  }
0x2e: {  	[dreg:$0x4] =	wrdreg $0x9  }
0x2f: {  	_ =	task.clear_ibuf [dreg:s7], $0x5FFFF;
	_ =	strace $0x90000049  }
0x30: {  	s29 =	simm.s32 $0x9;
	_ =	strace $0x8000004B  }
0x31: {  	_ =	swait.ge [sflag:s29], $0x1  }
0x32: {  	[sflag:s29] =	ssyncadd.s32 $0xFFFFFFFF  }
0x33: {  	_ =	strace $0x9000004B  }
0x34: {  	_ =	sfence  }
0x35: {  	s30 =	sld [smem:$0x0];
	_ =	sdelay $0x2  }
0x36: {  	s31 =	sshll.u32 s1, $0xD;
	s1 =	sshrl.u32 s1, $0x2  }
0x37: {  	s3 =	sand.u32 $0x4000, s31;
	s1 =	sadd.s32 s1, s30  }
0x38: {  	s0 =	sor.u32 s3, s0;
	s1 =	sshll.u32 s1, $0x11  }
0x39: {  	s0 =	sor.u32 s1, s0  }
0x3a: {  	s0 =	sadd.s32 $0x8F2B, s0  }
0x3b: {  	[sflag:s0] =	ssyncadd.remote.s32 $0x1  }
0x3c: {  	_ =	sfence.sel $0xFFFF  }
0x3d: {  	[dreg:$0x0] =	wrdreg $0xFFFFFFFF;
	(pc) =	sbr.abs _section_cstart, $3  }
0x3e: {  	[dreg:$0x1] =	wrdreg $0xFFFFFFFF  }
0x3f: {  	_ =	task.clear_ibuf [dreg:s7], $0x2FFFF;
	_ =	strace $0x9FFFFFFF  }
0x40: {  	(tm) =	ssettm $0x7FFFFFFF  }
0x41: {  	_ =	shalt  }
tec
execute0_lowered:
.L_overlay_start_1:
0x0: {  	(tag) =	ssettag $0x1  }
0x1: {  	s0 =	srdreg.scid  }
0x2: {  	s7 =	stileid.u32;
	s3 =	rddreg [dreg:$0x0]  }
0x3: {  	s6 =	rddreg [dreg:$0x1];
	_ =	strace $0x8000004A;
	s0 =	sshll.u32 s0, $0x4  }
0x4: {  	s4 =	simm.s32 $0x1;
	s31 =	simm.s32 $0x2;
	s0 =	sor.u32 s7, s0  }
0x5: {  	s17 =	simm.s32 $0x0;
	s9 =	simm.s32 $0x6000;
	s2 =	sand.u32 $0x18, s0  }
0x6: {  	s10 =	simm.s32 $0x0;
	s16 =	simm.s32 $0x0;
	s0 =	ssub.s32 $0x20, s2  }
0x7: {  	s19 =	simm.s32 $0x0;
	s18 =	simm.s32 $0x0;
	s1 =	sand.u32 $0x18, s0  }
0x8: {  	s11 =	simm.s32 $0x0;
	p0 =	sne.s32 s1, $0x0;
	s1 =	simm.s32 $0x1  }
.Ltmp0:
0x9: {  	s0 =	sshrl.u32 s0, $0x5;
	s1 =	simm.s32 @!p0 $0x0;
	(pc) =	sbr.rel .LBB1_1-.Ltmp0, $4  }
0xa: {  	s12 =	simm.s32 $0x0;
	s15 =	simm.s32 $0x0;
	s0 =	sadd.s32 s1, s0  }
0xb: {  	s25 =	simm.s32 $0x0;
	[sflag:s4] =	ssyncpa.u1 $0x0;
	s5 =	smul.u32 $0x1B, s0  }
0xc: {  	s6 =	sadd.s32 $0x4400, s6;
	s7 =	sand.u32 $0x7, s7;
	[sflag:s31] =	ssyncpa.u1 $0x0  }
0xd: {  	s14 =	smov.u32 s7;
	s13 =	smov.u32 s2;
	s8 =	sadd.s32 $0x1, s5  }
.LBB1_7:
0xe: {  	s0 =	sadd.s32 $0x100, s11  }
0xf: {  	s1 =	sadd.s32 $0x8, s12;
	s20 =	smov.u32 s12;
	p1 =	sgt.s32 s0, $0x2FF  }
0x10: {  	s20 =	smov.u32 @p1 s1  }
0x11: {  	s21 =	smov.u32 s13;
	s1 =	sadd.s32 $0x20, s13;
	p2 =	sgt.s32 s20, $0x7  }
0x12: {  	s21 =	smov.u32 @p2 s1  }
0x13: {  	s22 =	smov.u32 s14;
	s1 =	sadd.s32 $0x8, s14;
	p3 =	sgt.s32 s21, $0x1F  }
0x14: {  	p0 =	slt.u32 s15, $0x2;
	s22 =	smov.u32 @p3 s1  }
0x15: {  	s17 =	smov.u32 s11;
	s0 =	simm.s32 @p1 $0x0;
	p1 =	sgt.s32 s22, $0x47  }
0x16: {  	s16 =	smov.u32 s12;
	s22 =	smov.u32 @p1 s7;
	p1 =	sne.s32 s15, s8  }
.Ltmp1:
0x17: {  	s19 =	smov.u32 s13;
	s18 =	smov.u32 s14;
	(pc) =	sbr.rel @!p1 .LBB1_8-.Ltmp1, $4  }
0x18: {  	s10 =	sadd.s32 $0x4000, s10;
	s11 =	smov.u32 s0;
	s1 =	simm.s32 @!p0 $0x2  }
0x19: {  	s20 =	simm.s32 @p2 $0x0;
	s21 =	smov.u32 @p3 s2;
	_ =	swait.ge @!p0 [sflag:s1], $0x4000  }
0x1a: {  	s12 =	smov.u32 s20;
	s13 =	smov.u32 s21;
	[sflag:s1] =	ssyncset.done @!p0 $0x0  }
0x1b: {  	s15 =	sadd.s32 $0x1, s15;
	[sflag:s1] =	ssyncadd.s32 @!p0 $0xFFFFC000;
	s14 =	smov.u32 s22  }
.LBB1_1:
0x1c: {  	p0 =	sge.u32 s15, s5  }
0x1d: {  	s0 =	sshrl.u32 @!p0 s12, $0x3  }
0x1e: {  	s1 =	sshll.u32 @!p0 s11, $0x3;
	s0 =	smul.u32 @!p0 $0x1800, s0  }
0x1f: {  	s20 =	sshll.u32 @!p0 s12, $0x7;
	s1 =	sand.u32 @!p0 $0xFFFFFC00, s1  }
0x20: {  	s0 =	sadd.s32 @!p0 s0, s1;
	s1 =	sand.u32 @!p0 $0x380, s20  }
0x21: {  	s20 =	sand.u32 @!p0 $0x7F, s11;
	s0 =	sor.u32 @!p0 s1, s0  }
0x22: {  	s1 =	sor.u32 @!p0 s20, s0  }
0x23: {  	s20 =	smulhi.u32 @!p0 $0xAAAAAAAB, s1  }
0x24: {  	s0 =	smulhi.u32 @!p0 $0xAAAAAAAB, s0  }
0x25: {  	s31 =	sadd.s32 $0xFFFFFFFF, s15;
	s22 =	smul.u32 @!p0 $0x6000, s14;
	s20 =	sshrl.u32 @!p0 s20, $0x9  }
0x26: {  	s21 =	sxor.u32 @!p0 $0xFFFFFFFF, s15;
	s0 =	sshrl.u32 @!p0 s0, $0x9;
	s20 =	smul.u32 @!p0 $0x300, s20  }
0x27: {  	s23 =	smul.u32 @!p0 $0x300, s13;
	s21 =	sshll.u32 @!p0 s21, $0xE;
	s0 =	sand.u32 @!p0 $0x7, s0  }
0x28: {  	s0 =	smul.u32 @!p0 $0x60, s0;
	s1 =	ssub.s32 @!p0 s1, s20;
	s20 =	sadd.s32 @!p0 s3, s22  }
0x29: {  	s21 =	sand.u32 @!p0 $0x4000, s21;
	s20 =	sadd.s32 @!p0 s23, s20;
	s22 =	sand.u32 @!p0 $0x7, s1  }
0x2a: {  	s1 =	sshrl.u32 @!p0 s1, $0x3;
	s0 =	sadd.s32 @!p0 s0, s20;
	s20 =	sshll.u32 @!p0 s22, $0x12  }
0x2b: {  	s0 =	sadd.s32 @!p0 s1, s0;
	s1 =	sor.u32 @!p0 $0x800, s20;
	s20 =	simm.s32 @!p0 $0x1800  }
0x2c: {  	[tilespmem:s21], [sflag:$0x1] =	stream.strided.gather @!p0 [hbm4b:s0+s1], $0x4000, s20, s1, $0x38;
	[tilespmem:$0x10000] =	vst v63  }
0x2d: {  	p0 =	sge.u32 s31, s5  }
.Ltmp2:
0x2e: {  	_ = 	snop;
	(pc) =	sbr.rel @p0 .LBB1_7-.Ltmp2, $1  }
0x2f: {  	_ =	sdelay $0x3  }
0x30: {  	s0 =	sshll.u32 s10, $0x2;
	_ =	swait.ge [sflag:s4], $0x4000;
	s1 =	sshll.u32 s15, $0xE  }
0x31: {  	p0 =	por $0x0, $0x0;
	s26 =	simm.s32 $0x0;
	s27 =	simm.s32 $0x0  }
0x32: {  	s0 =	sand.u32 $0x10000, s0;
	[sflag:s4] =	ssyncset.done $0x0;
	s23 =	sand.u32 $0x4000, s1  }
0x33: {  	s0 =	sshrl.u32 s0, $0x2;
	[sflag:s4] =	ssyncadd.s32 $0xFFFFC000;
	s20 =	sor.u32 $0x8000, s23  }
0x34: {  	s21 =	sor.u32 $0x40, s0;
	s22 =	sor.u32 $0x8410, s0;
	s24 =	sadd.s32 $0x8400, s0  }
.LBB1_3:
0x35: {  	v1 =	vld [tilespmem:s21+$0xFFFFFFD0]  }
0x36: {  	v2 =	vld [tilespmem:s21+$0x430]  }
0x37: {  	s0 =	sshll.u32 s27, $0xB;
	v4 =	vld [tilespmem:s21+$0xFFFFFFE0]  }
0x38: {  	v7 =	vld [tilespmem:s21+$0xFFFFFFF0];
	v0 =	vmov s0  }
0x39: {  	v8 =	vld [tilespmem:s21+$0x0]  }
0x3a: {  	v9 =	vld [tilespmem:s21+$0x10];
	s0 =	sand.u32 $0x300, s25  }
0x3b: {  	s1 =	sand.u32 $0x80, s25;
	v10 =	vld [tilespmem:s21+$0x20];
	s0 =	sadd.s32 s0, s23  }
0x3c: {  	v11 =	vld [tilespmem:s21+$0x30];
	s0 =	sadd.s32 s1, s0;
	s1 =	simm.s32 $0x1;
	[tilespmem:s22+$0x60] =	vst v2  }
0x3d: {  	s1 =	simm.s32 @!p0 $0x0;
	[tilespmem:s22+$0xFFFFFC00] =	vst v1;
	v3 =	vld.idx.msk [tilespmem:v0+s0+$0x400 ss:$0x1], $0xffff;
	s0 =	sshll.u32 s26, $0x2  }
0x3e: {  	v6 =	vld [tilespmem:s21+$0x3D0];
	s1 =	sshll.u32 s1, $0x9;
	[tilespmem:s22+$0xFFFFFC10] =	vst v4;
	s0 =	sand.u32 $0xFFFFFC00, s0  }
0x3f: {  	v5 =	vld [tilespmem:s21+$0x3E0];
	[tilespmem:s22+$0xFFFFFC20] =	vst v7;
	s0 =	sor.u32 s1, s0  }
0x40: {  	[tilespmem:s22+$0xFFFFFC30] =	vst v8;
	v4 =	vld [tilespmem:s21+$0x400];
	s0 =	sshrl.u32 s0, $0x2  }
0x41: {  	[tilespmem:s22+$0xFFFFFC40] =	vst v9;
	v1 =	vld [tilespmem:s21+$0x410];
	s28 =	sadd.s32 s0, s24  }
0x42: {  	[tilespmem:s28+$0x0] =	vst v3;
	v3 =	vld [tilespmem:s21+$0x3F0]  }
0x43: {  	s31 =	simm.s32 $0x100;
	[tilespmem:s22+$0xFFFFFC50] =	vst v10;
	v2 =	vld [tilespmem:s21+$0x420];
	s1 =	simm.s32 $0x80  }
0x44: {  	s29 =	sadd.s32 $0x80, s21;
	s30 =	smov.u32 s22;
	v7 =	vld [tilespmem:s21+$0xFFFFFFC0];
	[tilespmem:s22+$0xFFFFFC60] =	vst v11;
	s0 =	sand.u32 $0x300, s1  }
.LBB1_4:
0x45: {  	p1 =	sne.s32 s31, $0x380;
	v8 =	vld [tilespmem:s29+$0xFFFFFFD0];
	s1 =	sand.u32 $0x80, s1;
	s0 =	sadd.s32 s0, s23;
	[tilespmem:s30+$0x0] =	vst v6  }
0x46: {  	s0 =	sadd.s32 s1, s0;
	v6 =	vld [tilespmem:s29+$0x430];
	[tilespmem:s30+$0x10] =	vst v5;
	s1 =	smov.u32 s31  }
0x47: {  	v5 =	vld.idx.msk [tilespmem:v0+s0+$0x400 ss:$0x1], $0xffff;
	[tilespmem:s30+$0x20] =	vst v3  }
0x48: {  	v3 =	vld [tilespmem:s29+$0xFFFFFFE0];
	[tilespmem:s30+$0x30] =	vst v4  }
0x49: {  	v4 =	vld [tilespmem:s29+$0xFFFFFFF0];
	[tilespmem:s30+$0xFFFFFBF0] =	vst v7  }
0x4a: {  	v7 =	vld [tilespmem:s29+$0x0];
	[tilespmem:s30+$0x40] =	vst v1  }
0x4b: {  	v1 =	vld [tilespmem:s29+$0x10];
	[tilespmem:s30+$0x50] =	vst v2;
	s30 =	sadd.s32 $0x800, s30  }
0x4c: {  	s28 =	sadd.s32 $0x800, s28;
	v2 =	vld [tilespmem:s29+$0x20];
	[tilespmem:s30+$0x60] =	vst v6  }
0x4d: {  	v9 =	vld [tilespmem:s29+$0x30];
	[tilespmem:s28+$0x0] =	vst v5  }
0x4e: {  	[tilespmem:s30+$0xFFFFFC00] =	vst v8;
	v6 =	vld [tilespmem:s29+$0x3D0]  }
0x4f: {  	[tilespmem:s30+$0xFFFFFC10] =	vst v3;
	v5 =	vld [tilespmem:s29+$0x3E0]  }
.Ltmp3:
0x50: {  	[tilespmem:s30+$0xFFFFFC20] =	vst v4;
	v3 =	vld [tilespmem:s29+$0x3F0];
	(pc) =	sbr.rel @p1 .LBB1_4-.Ltmp3, $4  }
0x51: {  	[tilespmem:s30+$0xFFFFFC30] =	vst v7;
	v4 =	vld [tilespmem:s29+$0x400]  }
0x52: {  	[tilespmem:s30+$0xFFFFFC40] =	vst v1;
	v1 =	vld [tilespmem:s29+$0x410]  }
0x53: {  	[tilespmem:s30+$0xFFFFFC50] =	vst v2;
	v2 =	vld [tilespmem:s29+$0x420]  }
0x54: {  	s31 =	sadd.s32 $0x80, s31;
	s0 =	sand.u32 $0x300, s1;
	v7 =	vld [tilespmem:s29+$0xFFFFFFC0];
	[tilespmem:s30+$0xFFFFFC60] =	vst v9;
	s29 =	sadd.s32 $0x80, s29  }
0x55: {  	[tilespmem:s30+$0x0] =	vst v6  }
0x56: {  	[tilespmem:s30+$0x10] =	vst v5  }
0x57: {  	v49 =	vld [tilespmem:s29+$0x430];
	[tilespmem:s30+$0x20] =	vst v3  }
0x58: {  	v50 =	vld [tilespmem:s29+$0xFFFFFFD0];
	[tilespmem:s30+$0x30] =	vst v4  }
0x59: {  	v51 =	vld [tilespmem:s29+$0xFFFFFFE0];
	[tilespmem:s30+$0x40] =	vst v1  }
0x5a: {  	v52 =	vld [tilespmem:s29+$0xFFFFFFF0];
	[tilespmem:s30+$0x50] =	vst v2  }
0x5b: {  	v53 =	vld [tilespmem:s29+$0x0];
	[tilespmem:s30+$0xFFFFFBF0] =	vst v7;
	s30 =	sadd.s32 $0x800, s30  }
0x5c: {  	v54 =	vld [tilespmem:s29+$0x10];
	[tilespmem:s30+$0x60] =	vst v49  }
0x5d: {  	v55 =	vld [tilespmem:s29+$0x20];
	[tilespmem:s30+$0xFFFFFC00] =	vst v50  }
0x5e: {  	v56 =	vld [tilespmem:s29+$0x30];
	[tilespmem:s30+$0xFFFFFC10] =	vst v51  }
0x5f: {  	v57 =	vld [tilespmem:s29+$0x3D0];
	[tilespmem:s30+$0xFFFFFC20] =	vst v52  }
0x60: {  	v58 =	vld [tilespmem:s29+$0x3E0];
	[tilespmem:s30+$0xFFFFFC30] =	vst v53  }
0x61: {  	v59 =	vld [tilespmem:s29+$0x3F0];
	[tilespmem:s30+$0xFFFFFC40] =	vst v54  }
0x62: {  	v60 =	vld [tilespmem:s29+$0x400];
	[tilespmem:s30+$0xFFFFFC50] =	vst v55  }
0x63: {  	v61 =	vld [tilespmem:s29+$0xFFFFFFC0];
	[tilespmem:s30+$0xFFFFFC60] =	vst v56  }
0x64: {  	s1 =	sand.u32 $0x80, s1;
	s0 =	sadd.s32 s0, s23;
	v62 =	vld [tilespmem:s29+$0x410];
	[tilespmem:s30+$0x0] =	vst v57  }
0x65: {  	v63 =	vld [tilespmem:s29+$0x420];
	s27 =	sadd.s32 $0x1, s27;
	s0 =	sadd.s32 s1, s0;
	[tilespmem:s30+$0x10] =	vst v58  }
0x66: {  	p1 =	sne.s32 s27, $0x8;
	v0 =	vld.idx.msk [tilespmem:v0+s0+$0x400 ss:$0x1], $0xffff;
	[tilespmem:s30+$0x20] =	vst v59  }
.Ltmp4:
0x67: {  	[tilespmem:s30+$0x30] =	vst v60;
	(pc) =	sbr.rel @p1 .LBB1_3-.Ltmp4, $4  }
0x68: {  	[tilespmem:s30+$0xFFFFFBF0] =	vst v61  }
0x69: {  	[tilespmem:s30+$0x40] =	vst v62  }
0x6a: {  	s31 =	sadd.s32 $0x800, s28;
	s21 =	sadd.s32 $0x800, s21;
	[tilespmem:s30+$0x50] =	vst v63  }
0x6b: {  	s26 =	sadd.s32 $0x80, s26;
	p0 =	por !p0, !p0;
	s22 =	sadd.s32 $0x80, s22;
	[tilespmem:s31+$0x0] =	vst v0  }
0x6c: {  	s0 =	sshrl.u32 s19, $0x3  }
0x6d: {  	s1 =	sshll.u32 s17, $0x3;
	s0 =	smul.u32 $0x1800, s0  }
0x6e: {  	s24 =	sshll.u32 s19, $0x7;
	s1 =	sand.u32 $0xFFFFFC00, s1  }
0x6f: {  	s26 =	sand.u32 $0x380, s24;
	s0 =	sadd.s32 s0, s1  }
0x70: {  	s27 =	sand.u32 $0x7F, s17;
	s0 =	sor.u32 s26, s0  }
0x71: {  	s1 =	sor.u32 s27, s0;
	s0 =	smulhi.u32 $0xAAAAAAAB, s0  }
0x72: {  	s17 =	smulhi.u32 $0xAAAAAAAB, s1  }
0x73: {  	s18 =	smul.u32 $0x6000, s18  }
0x74: {  	s16 =	smul.u32 $0xC00, s16;
	s0 =	sshrl.u32 s0, $0x9;
	s17 =	sshrl.u32 s17, $0x9  }
0x75: {  	s0 =	sand.u32 $0x1F, s0;
	s17 =	smul.u32 $0x300, s17  }
0x76: {  	s0 =	smul.u32 $0x60, s0  }
.Ltmp5:
0x77: {  	s28 =	sadd.s32 s6, s18;
	s1 =	ssub.s32 s1, s17;
	(pc) =	sbr.rel .LBB1_7-.Ltmp5, $4  }
0x78: {  	s16 =	sadd.s32 s16, s28;
	s29 =	sand.u32 $0x7, s1  }
0x79: {  	s0 =	sadd.s32 s0, s16;
	s1 =	sshrl.u32 s1, $0x3;
	s30 =	sshll.u32 s29, $0x12  }
0x7a: {  	s0 =	sadd.s32 s1, s0;
	s31 =	sor.u32 $0x800, s30  }
0x7b: {  	[hbm4b:s0+s31] =	stream.strided.scatter [tilespmem:s20], [sflag:$0x2], $0x4000, s9, s31, $0x38;
	[tilespmem:$0x10000] =	vst v63  }
.LBB1_8:
0x7c: {  	_ =	sfence.sel $0x180000  }
0x7d: {  	s0 =	simm.s32 $0x1;
	[bflag:$0x0] =	sbarrier.arrive $0xFFFF  }
0x7e: {  	s30 =	simm.s32 $0x2;
	[sflag:s0] =	ssyncpa.u1 $0x1  }
0x7f: {  	[sflag:s30] =	ssyncpa.u1 $0x1  }
0x80: {  	_ =	strace $0x9000004A  }
0x81: {  	s31 =	stileid.u32;
	[bflag:$0x2] =	sbarrier.arrive $0xFFFF  }
0x82: {  	p0 =	sne.s32 s31, $0x0;
	s0 =	rddreg [dreg:$0x2]  }
0x83: {  	s0 =	sadd.s32 @!p0 $0x100000, s0  }
0x84: {  	[sflag:s0] =	ssyncadd.tile.s32 @!p0 $0x1;
	_ =	shalt  }
.Lfunc_end1:
_tile_overlayer_lowered:
.L_overlay_start_2:
0x85: {  	(tag) =	ssettag $0x2  }
0x86: {  	s0 =	rddreg [dreg:$0x0];
	s2 =	stileid.u32  }
0x87: {  	s1 =	rddreg [dreg:$0x1];
	p0 =	sne.s32 s2, $0x0  }
0x88: {  	s3 =	rddreg [dreg:$0x2];
	[bflag:$0x3] =	sbarrier.arrive $0xFFFF;
	s2 =	simm.s32 @!p0 $0x1C01  }
0x89: {  	[timem:s3], [sflag:s2] =	dma.local @!p0 [hbm:s0], s1  }
0x8a: {  	s0 =	simm.s32 @!p0 $0x1  }
0x8b: {  	_ =	swait.ge @!p0 [sflag:s0], s1  }
0x8c: {  	s1 =	ssub.s32 @!p0 $0x0, s1;
	[sflag:s0] =	ssyncset.done @!p0 $0x0  }
0x8d: {  	[sflag:s0] =	ssyncadd.s32 @!p0 s1  }
0x8e: {  	[bflag:$0x3] =	sbarrier.arrive $0xFFFF  }
0x8f: {  	_ =	shalt  }

// kernel: sparse-core-data-format-call.2.cloned.1.call-start
scs
called_computation.2_lowered:
.L_overlay_start_0:
0x0: {  	s2 =	sld [smem:$0x3FD9]  }
0x1: {  	s3 =	sld [smem:$0x3FFE];
	_ =	sdelay $0x1  }
0x2: {  	s1 =	srdreg.scid  }
0x3: {  	s0 =	sand.u32 $0x1, s1  }
0x4: {  	s15 =	sshll.u32 s0, $0xA;
	s2 =	sadd.s32 s3, s2  }
0x5: {  	s2 =	sadd.s32 s2, s15  }
0x6: {  	[smem:$0x3FC3] =	sst s2  }
0x7: {  	_ = 	snop  }
0x8: {  	s2 =	sld [smem:$0x3FD0];
	_ =	sdelay $0x2  }
0x9: {  	s16 =	simm.s32 $0xA;
	s4 =	simm.s32 $0x10  }
0xa: {  	[smem:s4], [sflag:s16] =	dma.local [hbm:s2], $0x1  }
0xb: {  	_ =	swait.eq [sflag:s16], $0x1  }
0xc: {  	[sflag:s16] =	ssyncset.done $0x0  }
0xd: {  	[sflag:s16] =	ssyncadd.s32 $0xFFFFFFFF  }
0xe: {  	s17 =	sld [smem:$0x10];
	(tm) =	ssettm $0x1  }
0xf: {  	s18 =	sld [smem:$0x3FFB];
	_ =	sdelay $0x3  }
0x10: {  	_ =	strace s18  }
0x11: {  	s3 =	sld [smem:$0x3FFC];
	_ =	sdelay $0x3  }
0x12: {  	_ =	strace s3  }
0x13: {  	s3 =	sld [smem:$0x3FFD];
	_ =	sdelay $0x3  }
0x14: {  	_ =	strace s3  }
0x15: {  	_ =	strace $0x8FFFFFFF  }
0x16: {  	s19 =	sld [smem:$0x3FDB];
	_ =	sdelay $0x1  }
0x17: {  	s20 =	simm.s32 $_scs_section_size  }
0x18: {  	s5 =	simm.s32 $_size__tile_overlayer_lowered;
	s6 =	simm.s32 $_tile_overlayer_lowered  }
0x19: {  	s23 =	simm.s32 $0x1BFF;
	s22 =	sshll.u32 s6, $0x1;
	s3 =	sadd.s32 s20, s19  }
0x1a: {  	s7 =	simm.s32 $0x0;
	s21 =	sshll.u32 s5, $0x1;
	s5 =	sadd.s32 s22, s3  }
0x1b: {  	[timem:s7], [sflag:s23] =	dma.local [hbm:s5], s21  }
0x1c: {  	_ =	swait.ge [sflag:s23], s21  }
0x1d: {  	s4 =	ssub.s32 $0x0, s21;
	[sflag:s23] =	ssyncset.done $0x0  }
0x1e: {  	[sflag:s23] =	ssyncadd.s32 s4;
	_ =	sdelay $0x1  }
0x1f: {  	s24 =	simm.s32 $0x1B8B  }
0x20: {  	_ =	swait.ge [sflag:s24], $0x1  }
0x21: {  	[sflag:s24] =	ssyncset.done $0x0  }
0x22: {  	s26 =	simm.s32 $0x1B8E;
	s25 =	sld [smem:$0x3FFE];
	[sflag:s24] =	ssyncadd.s32 $0xFFFFFFFF  }
0x23: {  	s27 =	simm.s32 $execute0_lowered;
	[smem:$0x3FD2] =	sst s26  }
0x24: {  	s5 =	sshll.u32 s27, $0x1;
	_ =	strace $0x80000046;
	[dreg:$0x1] =	wrdreg $0xFFFFFFFF  }
0x25: {  	s28 =	simm.s32 $_size_execute0_lowered;
	s3 =	sadd.s32 s3, s5;
	[dreg:$0x0] =	wrdreg $0x0  }
0x26: {  	s5 =	sshll.u32 s28, $0x1;
	[dreg:$0x2] =	wrdreg s3  }
0x27: {  	[dreg:$0x3] =	wrdreg s5  }
0x28: {  	[dreg:$0x4] =	wrdreg $0xC0  }
0x29: {  	_ =	task [dreg:s7], $0x5FFFF  }
0x2a: {  	[dreg:$0x1] =	wrdreg $0xFFFFFFFF  }
0x2b: {  	[dreg:$0x0] =	wrdreg $0x60  }
0x2c: {  	[dreg:$0x2] =	wrdreg s17  }
0x2d: {  	[dreg:$0x3] =	wrdreg s25  }
0x2e: {  	[dreg:$0x4] =	wrdreg $0x9  }
0x2f: {  	_ =	task.clear_ibuf [dreg:s7], $0x5FFFF;
	_ =	strace $0x90000046  }
0x30: {  	s29 =	simm.s32 $0x9;
	_ =	strace $0x80000048  }
0x31: {  	_ =	swait.ge [sflag:s29], $0x1  }
0x32: {  	[sflag:s29] =	ssyncadd.s32 $0xFFFFFFFF  }
0x33: {  	_ =	strace $0x90000048  }
0x34: {  	_ =	sfence  }
0x35: {  	s30 =	sld [smem:$0x0];
	_ =	sdelay $0x2  }
0x36: {  	s31 =	sshll.u32 s1, $0xD;
	s1 =	sshrl.u32 s1, $0x2  }
0x37: {  	s3 =	sand.u32 $0x4000, s31;
	s1 =	sadd.s32 s1, s30  }
0x38: {  	s0 =	sor.u32 s3, s0;
	s1 =	sshll.u32 s1, $0x11  }
0x39: {  	s0 =	sor.u32 s1, s0  }
0x3a: {  	s0 =	sadd.s32 $0x8F2B, s0  }
0x3b: {  	[sflag:s0] =	ssyncadd.remote.s32 $0x1  }
0x3c: {  	_ =	sfence.sel $0xFFFF  }
0x3d: {  	[dreg:$0x0] =	wrdreg $0xFFFFFFFF;
	(pc) =	sbr.abs _section_cstart, $3  }
0x3e: {  	[dreg:$0x1] =	wrdreg $0xFFFFFFFF  }
0x3f: {  	_ =	task.clear_ibuf [dreg:s7], $0x2FFFF;
	_ =	strace $0x9FFFFFFF  }
0x40: {  	(tm) =	ssettm $0x7FFFFFFF  }
0x41: {  	_ =	shalt  }
tec
execute0_lowered:
.L_overlay_start_1:
0x0: {  	(tag) =	ssettag $0x1  }
0x1: {  	s0 =	srdreg.scid  }
0x2: {  	s0 =	sshll.u32 s0, $0x2  }
0x3: {  	s6 =	rddreg [dreg:$0x1];
	s7 =	simm.s32 $0x2;
	s1 =	sand.u32 $0x4, s0  }
0x4: {  	s16 =	simm.s32 $0x0;
	s8 =	simm.s32 $0x1800;
	s2 =	ssub.s32 $0x8, s1  }
0x5: {  	s9 =	simm.s32 $0x0;
	s0 =	stileid.u32;
	s3 =	sshrl.u32 s2, $0x2  }
0x6: {  	s4 =	ssub.s32 $0x57, s0;
	s2 =	sshrl.u32 s2, $0x3;
	s5 =	sand.u32 $0x1, s3  }
0x7: {  	s15 =	simm.s32 $0x0;
	s4 =	sshrl.u32 s4, $0x4;
	s2 =	sadd.s32 s2, s5  }
0x8: {  	s18 =	simm.s32 $0x0;
	s17 =	simm.s32 $0x0;
	s5 =	smul.u32 s2, s4  }
.Ltmp0:
0x9: {  	s10 =	simm.s32 $0x0;
	s3 =	rddreg [dreg:$0x0];
	(pc) =	sbr.rel .LBB1_1-.Ltmp0, $4  }
0xa: {  	s11 =	simm.s32 $0x0;
	s13 =	stileid.u32;
	s2 =	rddreg [dreg:$0x2]  }
0xb: {  	_ =	strace $0x80000047;
	s4 =	simm.s32 $0x1;
	s5 =	smul.u32 $0x6, s5  }
0xc: {  	s14 =	simm.s32 $0x0;
	s6 =	sadd.s32 $0x1400, s6;
	[sflag:s4] =	ssyncpa.u1 $0x0  }
0xd: {  	s12 =	smov.u32 s1;
	[sflag:s7] =	ssyncpa.u1 $0x0;
	s7 =	sor.u32 $0x1, s5  }
.LBB1_7:
0xe: {  	s19 =	sadd.s32 $0x80, s10  }
0xf: {  	s15 =	sadd.s32 $0x20, s11;
	s20 =	smov.u32 s11;
	p1 =	sgt.s32 s19, $0x2FF  }
0x10: {  	s20 =	smov.u32 @p1 s15  }
0x11: {  	s21 =	smov.u32 s12;
	s15 =	sadd.s32 $0x8, s12;
	p2 =	sgt.s32 s20, $0x1F  }
0x12: {  	s21 =	smov.u32 @p2 s15  }
0x13: {  	s22 =	smov.u32 s13;
	s15 =	sadd.s32 $0x10, s13;
	p3 =	sgt.s32 s21, $0x7  }
0x14: {  	p0 =	slt.u32 s14, $0x2;
	s22 =	smov.u32 @p3 s15  }
0x15: {  	s16 =	smov.u32 s10;
	s19 =	simm.s32 @p1 $0x0;
	p1 =	sgt.s32 s22, $0x47  }
0x16: {  	s23 =	simm.s32 @!p0 $0x2;
	s22 =	smov.u32 @p1 s0;
	p1 =	sne.s32 s14, s7  }
.Ltmp1:
0x17: {  	s18 =	smov.u32 s12;
	_ =	swait.ge @!p0 [sflag:s23], $0x4000;
	(pc) =	sbr.rel @!p1 .LBB1_8-.Ltmp1, $4  }
0x18: {  	s17 =	smov.u32 s13;
	s9 =	sadd.s32 $0x4000, s9;
	[sflag:s23] =	ssyncset.done @!p0 $0x0  }
0x19: {  	s10 =	smov.u32 s19;
	s20 =	simm.s32 @p2 $0x0;
	[sflag:s23] =	ssyncadd.s32 @!p0 $0xFFFFC000  }
0x1a: {  	s21 =	smov.u32 @p3 s1;
	s15 =	smov.u32 s11;
	s11 =	smov.u32 s20  }
0x1b: {  	s12 =	smov.u32 s21;
	s14 =	sadd.s32 $0x1, s14;
	s13 =	smov.u32 s22  }
.LBB1_1:
0x1c: {  	p0 =	sge.u32 s14, s5  }
0x1d: {  	s19 =	sshrl.u32 @!p0 s11, $0x3  }
0x1e: {  	s20 =	sshll.u32 @!p0 s10, $0x3;
	s19 =	smul.u32 @!p0 $0x1800, s19  }
0x1f: {  	s21 =	sshll.u32 @!p0 s11, $0x7;
	s20 =	sand.u32 @!p0 $0xFFFFFC00, s20  }
0x20: {  	s19 =	sadd.s32 @!p0 s19, s20;
	s20 =	sand.u32 @!p0 $0x380, s21  }
0x21: {  	s21 =	sand.u32 @!p0 $0x7F, s10;
	s19 =	sor.u32 @!p0 s20, s19  }
0x22: {  	s20 =	sor.u32 @!p0 s21, s19  }
0x23: {  	s21 =	smulhi.u32 @!p0 $0xAAAAAAAB, s20  }
0x24: {  	s19 =	smulhi.u32 @!p0 $0xAAAAAAAB, s19  }
0x25: {  	s31 =	sadd.s32 $0xFFFFFFFF, s14;
	s23 =	smul.u32 @!p0 $0x6000, s13;
	s21 =	sshrl.u32 @!p0 s21, $0x9  }
0x26: {  	s22 =	sxor.u32 @!p0 $0xFFFFFFFF, s14;
	s19 =	sshrl.u32 @!p0 s19, $0x9;
	s21 =	smul.u32 @!p0 $0x300, s21  }
0x27: {  	s24 =	smul.u32 @!p0 $0xC00, s12;
	s22 =	sshll.u32 @!p0 s22, $0xE;
	s19 =	sand.u32 @!p0 $0x1F, s19  }
0x28: {  	s19 =	smul.u32 @!p0 $0x60, s19;
	s20 =	ssub.s32 @!p0 s20, s21;
	s21 =	sadd.s32 @!p0 s3, s23  }
0x29: {  	s22 =	sand.u32 @!p0 $0x4000, s22;
	s21 =	sadd.s32 @!p0 s24, s21;
	s23 =	sand.u32 @!p0 $0x7, s20  }
0x2a: {  	s20 =	sshrl.u32 @!p0 s20, $0x3;
	s19 =	sadd.s32 @!p0 s19, s21;
	s21 =	sshll.u32 @!p0 s23, $0x12  }
0x2b: {  	s19 =	sadd.s32 @!p0 s20, s19;
	s20 =	sor.u32 @!p0 $0x400, s21;
	s21 =	simm.s32 @!p0 $0x1800  }
0x2c: {  	[tilespmem:s22], [sflag:$0x1] =	stream.strided.gather @!p0 [hbm4b:s19+s20], $0x4000, s21, s20, $0x38;
	[tilespmem:$0x10000] =	vst v63  }
0x2d: {  	p0 =	sge.u32 s31, s5  }
.Ltmp2:
0x2e: {  	_ = 	snop;
	(pc) =	sbr.rel @p0 .LBB1_7-.Ltmp2, $1  }
0x2f: {  	_ =	sdelay $0x3  }
0x30: {  	s19 =	sand.u32 $0x4000, s9  }
0x31: {  	_ =	swait.ge [sflag:s4], $0x4000;
	s22 =	sshll.u32 s14, $0xE;
	s20 =	sor.u32 $0x8040, s19  }
0x32: {  	s21 =	sor.u32 $0x40, s19;
	[sflag:s4] =	ssyncset.done $0x0;
	s31 =	sand.u32 $0x4000, s22  }
0x33: {  	s22 =	simm.s32 $0x0;
	[sflag:s4] =	ssyncadd.s32 $0xFFFFC000;
	s19 =	sor.u32 $0x8000, s31  }
.LBB1_3:
0x34: {  	v0 =	vmov s21;
	_ =	sdelay $0x3  }
0x35: {  	s24 =	simm.s32 $0x0  }
0x36: {  	v6 =	vld.idx.msk [tilespmem:v0+s24+$0x30 ss:$0x1], $0xffff  }
0x37: {  	v7 =	vld.idx.msk [tilespmem:v0+s24+$0xFFFFFFC0 ss:$0x1], $0xffff  }
0x38: {  	v5 =	vld.idx.msk [tilespmem:v0+s24+$0xFFFFFFD0 ss:$0x1], $0xffff  }
0x39: {  	v4 =	vld.idx.msk [tilespmem:v0+s24+$0xFFFFFFE0 ss:$0x1], $0xffff  }
0x3a: {  	v3 =	vld.idx.msk [tilespmem:v0+s24+$0xFFFFFFF0 ss:$0x1], $0xffff  }
0x3b: {  	v1 =	vld.idx.msk [tilespmem:v0+s24+$0x0 ss:$0x1], $0xffff  }
0x3c: {  	v2 =	vld.idx.msk [tilespmem:v0+s24+$0x10 ss:$0x1], $0xffff;
	[tilespmem:s20+$0x30] =	vst v6  }
0x3d: {  	s23 =	simm.s32 $0x80;
	s25 =	simm.s32 $0x400;
	[tilespmem:s20+$0xFFFFFFC0] =	vst v7;
	v6 =	vld.idx.msk [tilespmem:v0+s24+$0x20 ss:$0x1], $0xffff;
	s24 =	smov.u32 s20  }
.LBB1_4:
0x3e: {  	p0 =	sne.s32 s25, $0x3E00;
	v7 =	vld.idx.msk [tilespmem:v0+s23+$0x30 ss:$0x1], $0xffff;
	[tilespmem:s24+$0xFFFFFFD0] =	vst v5  }
0x3f: {  	v8 =	vld.idx.msk [tilespmem:v0+s23+$0xFFFFFFC0 ss:$0x1], $0xffff;
	[tilespmem:s24+$0xFFFFFFE0] =	vst v4  }
0x40: {  	v5 =	vld.idx.msk [tilespmem:v0+s23+$0xFFFFFFD0 ss:$0x1], $0xffff;
	[tilespmem:s24+$0xFFFFFFF0] =	vst v3  }
.Ltmp3:
0x41: {  	v4 =	vld.idx.msk [tilespmem:v0+s23+$0xFFFFFFE0 ss:$0x1], $0xffff;
	[tilespmem:s24+$0x0] =	vst v1;
	(pc) =	sbr.rel @p0 .LBB1_4-.Ltmp3, $4  }
0x42: {  	v3 =	vld.idx.msk [tilespmem:v0+s23+$0xFFFFFFF0 ss:$0x1], $0xffff;
	[tilespmem:s24+$0x10] =	vst v2  }
0x43: {  	v1 =	vld.idx.msk [tilespmem:v0+s23+$0x0 ss:$0x1], $0xffff;
	[tilespmem:s24+$0x20] =	vst v6;
	s24 =	sadd.s32 $0x200, s24  }
0x44: {  	v2 =	vld.idx.msk [tilespmem:v0+s23+$0x10 ss:$0x1], $0xffff;
	[tilespmem:s24+$0x30] =	vst v7  }
0x45: {  	[tilespmem:s24+$0xFFFFFFC0] =	vst v8;
	v6 =	vld.idx.msk [tilespmem:v0+s23+$0x20 ss:$0x1], $0xffff;
	s23 =	sshra.s32 s25, $0x2;
	s25 =	sadd.s32 $0x200, s25  }
0x46: {  	_ =	sdelay $0x2  }
0x47: {  	[tilespmem:s24+$0xFFFFFFD0] =	vst v5  }
0x48: {  	v56 =	vld.idx.msk [tilespmem:v0+s23+$0x30 ss:$0x1], $0xffff;
	[tilespmem:s24+$0xFFFFFFE0] =	vst v4  }
0x49: {  	v57 =	vld.idx.msk [tilespmem:v0+s23+$0xFFFFFFC0 ss:$0x1], $0xffff;
	[tilespmem:s24+$0xFFFFFFF0] =	vst v3  }
0x4a: {  	v58 =	vld.idx.msk [tilespmem:v0+s23+$0xFFFFFFD0 ss:$0x1], $0xffff;
	[tilespmem:s24+$0x0] =	vst v1  }
0x4b: {  	v59 =	vld.idx.msk [tilespmem:v0+s23+$0xFFFFFFE0 ss:$0x1], $0xffff;
	[tilespmem:s24+$0x10] =	vst v2  }
0x4c: {  	v60 =	vld.idx.msk [tilespmem:v0+s23+$0xFFFFFFF0 ss:$0x1], $0xffff;
	s31 =	sadd.s32 $0x200, s24;
	[tilespmem:s24+$0x20] =	vst v6  }
0x4d: {  	v61 =	vld.idx.msk [tilespmem:v0+s23+$0x0 ss:$0x1], $0xffff;
	[tilespmem:s31+$0x30] =	vst v56  }
0x4e: {  	v62 =	vld.idx.msk [tilespmem:v0+s23+$0x10 ss:$0x1], $0xffff;
	s22 =	sadd.s32 $0x1, s22;
	[tilespmem:s31+$0xFFFFFFC0] =	vst v57  }
0x4f: {  	v63 =	vld.idx.msk [tilespmem:v0+s23+$0x20 ss:$0x1], $0xffff;
	p0 =	sne.s32 s22, $0x4;
	[tilespmem:s31+$0xFFFFFFD0] =	vst v58  }
.Ltmp4:
0x50: {  	[tilespmem:s31+$0xFFFFFFE0] =	vst v59;
	(pc) =	sbr.rel @p0 .LBB1_3-.Ltmp4, $4  }
0x51: {  	[tilespmem:s31+$0xFFFFFFF0] =	vst v60  }
0x52: {  	[tilespmem:s31+$0x0] =	vst v61  }
0x53: {  	[tilespmem:s31+$0x10] =	vst v62  }
0x54: {  	s20 =	sadd.s32 $0x80, s20;
	s21 =	sadd.s32 $0x1000, s21;
	[tilespmem:s31+$0x20] =	vst v63  }
0x55: {  	s20 =	sshrl.u32 s18, $0x3  }
0x56: {  	s21 =	sshll.u32 s16, $0x3;
	s20 =	smul.u32 $0x1800, s20  }
0x57: {  	s27 =	sshll.u32 s18, $0x7;
	s21 =	sand.u32 $0xFFFFFC00, s21  }
0x58: {  	s18 =	sand.u32 $0x380, s27;
	s20 =	sadd.s32 s20, s21  }
0x59: {  	s28 =	sand.u32 $0x7F, s16;
	s18 =	sor.u32 s18, s20  }
0x5a: {  	s16 =	sor.u32 s28, s18;
	s18 =	smulhi.u32 $0xAAAAAAAB, s18  }
0x5b: {  	s29 =	smulhi.u32 $0xAAAAAAAB, s16  }
0x5c: {  	s17 =	smul.u32 $0x6000, s17  }
0x5d: {  	s15 =	smul.u32 $0x300, s15;
	s18 =	sshrl.u32 s18, $0x9;
	s20 =	sshrl.u32 s29, $0x9  }
0x5e: {  	s18 =	sand.u32 $0x7, s18;
	s20 =	smul.u32 $0x300, s20  }
0x5f: {  	s18 =	smul.u32 $0x60, s18  }
.Ltmp5:
0x60: {  	s17 =	sadd.s32 s6, s17;
	s16 =	ssub.s32 s16, s20;
	(pc) =	sbr.rel .LBB1_7-.Ltmp5, $4  }
0x61: {  	s15 =	sadd.s32 s15, s17;
	s30 =	sand.u32 $0x7, s16  }
0x62: {  	s15 =	sadd.s32 s18, s15;
	s16 =	sshrl.u32 s16, $0x3;
	s17 =	sshll.u32 s30, $0x12  }
0x63: {  	s15 =	sadd.s32 s16, s15;
	s31 =	sor.u32 $0x200, s17  }
0x64: {  	[hbm4b:s15+s31] =	stream.strided.scatter [tilespmem:s19], [sflag:$0x2], $0x4000, s8, s31, $0x38;
	[tilespmem:$0x10000] =	vst v63  }
.LBB1_8:
0x65: {  	_ =	sfence.sel $0x180000  }
0x66: {  	s1 =	simm.s32 $0x1;
	[bflag:$0x0] =	sbarrier.arrive $0xFFFF  }
0x67: {  	s31 =	simm.s32 $0x2;
	[sflag:s1] =	ssyncpa.u1 $0x1  }
0x68: {  	[sflag:s31] =	ssyncpa.u1 $0x1  }
0x69: {  	p0 =	sne.s32 s0, $0x0;
	_ =	strace $0x90000047  }
0x6a: {  	s0 =	sadd.s32 @!p0 $0x100000, s2;
	[bflag:$0x2] =	sbarrier.arrive $0xFFFF  }
0x6b: {  	[sflag:s0] =	ssyncadd.tile.s32 @!p0 $0x1;
	_ =	shalt  }
.Lfunc_end1:
_tile_overlayer_lowered:
.L_overlay_start_2:
0x6c: {  	(tag) =	ssettag $0x2  }
0x6d: {  	s0 =	rddreg [dreg:$0x0];
	s2 =	stileid.u32  }
0x6e: {  	s1 =	rddreg [dreg:$0x1];
	p0 =	sne.s32 s2, $0x0  }
0x6f: {  	s3 =	rddreg [dreg:$0x2];
	[bflag:$0x3] =	sbarrier.arrive $0xFFFF;
	s2 =	simm.s32 @!p0 $0x1C01  }
0x70: {  	[timem:s3], [sflag:s2] =	dma.local @!p0 [hbm:s0], s1  }
0x71: {  	s0 =	simm.s32 @!p0 $0x1  }
0x72: {  	_ =	swait.ge @!p0 [sflag:s0], s1  }
0x73: {  	s1 =	ssub.s32 @!p0 $0x0, s1;
	[sflag:s0] =	ssyncset.done @!p0 $0x0  }
0x74: {  	[sflag:s0] =	ssyncadd.s32 @!p0 s1  }
0x75: {  	[bflag:$0x3] =	sbarrier.arrive $0xFFFF  }
0x76: {  	_ =	shalt  }

// kernel: sparse-core-data-format-call.cloned.1.call-start
scs
called_computation_lowered:
.L_overlay_start_0:
0x0: {  	s2 =	sld [smem:$0x3FD9]  }
0x1: {  	s3 =	sld [smem:$0x3FFE];
	_ =	sdelay $0x1  }
0x2: {  	s1 =	srdreg.scid  }
0x3: {  	s0 =	sand.u32 $0x1, s1  }
0x4: {  	s15 =	sshll.u32 s0, $0xA;
	s2 =	sadd.s32 s3, s2  }
0x5: {  	s2 =	sadd.s32 s2, s15  }
0x6: {  	[smem:$0x3FC3] =	sst s2  }
0x7: {  	_ = 	snop  }
0x8: {  	s2 =	sld [smem:$0x3FD0];
	_ =	sdelay $0x2  }
0x9: {  	s16 =	simm.s32 $0xA;
	s4 =	simm.s32 $0x10  }
0xa: {  	[smem:s4], [sflag:s16] =	dma.local [hbm:s2], $0x1  }
0xb: {  	_ =	swait.eq [sflag:s16], $0x1  }
0xc: {  	[sflag:s16] =	ssyncset.done $0x0  }
0xd: {  	[sflag:s16] =	ssyncadd.s32 $0xFFFFFFFF  }
0xe: {  	s17 =	sld [smem:$0x10];
	(tm) =	ssettm $0x1  }
0xf: {  	s18 =	sld [smem:$0x3FFB];
	_ =	sdelay $0x3  }
0x10: {  	_ =	strace s18  }
0x11: {  	s3 =	sld [smem:$0x3FFC];
	_ =	sdelay $0x3  }
0x12: {  	_ =	strace s3  }
0x13: {  	s3 =	sld [smem:$0x3FFD];
	_ =	sdelay $0x3  }
0x14: {  	_ =	strace s3  }
0x15: {  	_ =	strace $0x8FFFFFFF  }
0x16: {  	s19 =	sld [smem:$0x3FDB];
	_ =	sdelay $0x1  }
0x17: {  	s20 =	simm.s32 $_scs_section_size  }
0x18: {  	s5 =	simm.s32 $_size__tile_overlayer_lowered;
	s6 =	simm.s32 $_tile_overlayer_lowered  }
0x19: {  	s23 =	simm.s32 $0x1BFF;
	s22 =	sshll.u32 s6, $0x1;
	s3 =	sadd.s32 s20, s19  }
0x1a: {  	s7 =	simm.s32 $0x0;
	s21 =	sshll.u32 s5, $0x1;
	s5 =	sadd.s32 s22, s3  }
0x1b: {  	[timem:s7], [sflag:s23] =	dma.local [hbm:s5], s21  }
0x1c: {  	_ =	swait.ge [sflag:s23], s21  }
0x1d: {  	s4 =	ssub.s32 $0x0, s21;
	[sflag:s23] =	ssyncset.done $0x0  }
0x1e: {  	[sflag:s23] =	ssyncadd.s32 s4;
	_ =	sdelay $0x1  }
0x1f: {  	s24 =	simm.s32 $0x1B8B  }
0x20: {  	_ =	swait.ge [sflag:s24], $0x1  }
0x21: {  	[sflag:s24] =	ssyncset.done $0x0  }
0x22: {  	s26 =	simm.s32 $0x1B8E;
	s25 =	sld [smem:$0x3FFE];
	[sflag:s24] =	ssyncadd.s32 $0xFFFFFFFF  }
0x23: {  	s27 =	simm.s32 $execute0_lowered;
	[smem:$0x3FD2] =	sst s26  }
0x24: {  	s5 =	sshll.u32 s27, $0x1;
	_ =	strace $0x8000004C;
	[dreg:$0x1] =	wrdreg $0xFFFFFFFF  }
0x25: {  	s28 =	simm.s32 $_size_execute0_lowered;
	s3 =	sadd.s32 s3, s5;
	[dreg:$0x0] =	wrdreg $0x0  }
0x26: {  	s5 =	sshll.u32 s28, $0x1;
	[dreg:$0x2] =	wrdreg s3  }
0x27: {  	[dreg:$0x3] =	wrdreg s5  }
0x28: {  	[dreg:$0x4] =	wrdreg $0xC0  }
0x29: {  	_ =	task [dreg:s7], $0x5FFFF  }
0x2a: {  	[dreg:$0x1] =	wrdreg $0xFFFFFFFF  }
0x2b: {  	[dreg:$0x0] =	wrdreg $0x60  }
0x2c: {  	[dreg:$0x2] =	wrdreg s25  }
0x2d: {  	[dreg:$0x3] =	wrdreg s17  }
0x2e: {  	[dreg:$0x4] =	wrdreg $0x9  }
0x2f: {  	_ =	task.clear_ibuf [dreg:s7], $0x5FFFF;
	_ =	strace $0x9000004C  }
0x30: {  	s29 =	simm.s32 $0x9;
	_ =	strace $0x8000004E  }
0x31: {  	_ =	swait.ge [sflag:s29], $0x1  }
0x32: {  	[sflag:s29] =	ssyncadd.s32 $0xFFFFFFFF  }
0x33: {  	_ =	strace $0x9000004E  }
0x34: {  	_ =	sfence  }
0x35: {  	s30 =	sld [smem:$0x0];
	_ =	sdelay $0x2  }
0x36: {  	s31 =	sshll.u32 s1, $0xD;
	s1 =	sshrl.u32 s1, $0x2  }
0x37: {  	s3 =	sand.u32 $0x4000, s31;
	s1 =	sadd.s32 s1, s30  }
0x38: {  	s0 =	sor.u32 s3, s0;
	s1 =	sshll.u32 s1, $0x11  }
0x39: {  	s0 =	sor.u32 s1, s0  }
0x3a: {  	s0 =	sadd.s32 $0x8F2B, s0  }
0x3b: {  	[sflag:s0] =	ssyncadd.remote.s32 $0x1  }
0x3c: {  	_ =	sfence.sel $0xFFFF  }
0x3d: {  	[dreg:$0x0] =	wrdreg $0xFFFFFFFF;
	(pc) =	sbr.abs _section_cstart, $3  }
0x3e: {  	[dreg:$0x1] =	wrdreg $0xFFFFFFFF  }
0x3f: {  	_ =	task.clear_ibuf [dreg:s7], $0x2FFFF;
	_ =	strace $0x9FFFFFFF  }
0x40: {  	(tm) =	ssettm $0x7FFFFFFF  }
0x41: {  	_ =	shalt  }
tec
execute0_lowered:
.L_overlay_start_1:
0x0: {  	(tag) =	ssettag $0x1  }
0x1: {  	s0 =	srdreg.scid  }
0x2: {  	s6 =	rddreg [dreg:$0x0];
	s1 =	sshll.u32 s0, $0x4  }
0x3: {  	s3 =	rddreg [dreg:$0x1];
	s0 =	stileid.u32;
	s1 =	sand.u32 $0x10, s1  }
0x4: {  	s7 =	simm.s32 $0x2;
	s17 =	simm.s32 $0x0;
	s2 =	sor.u32 s0, s1  }
0x5: {  	s8 =	simm.s32 $0x6C000;
	s9 =	simm.s32 $0x0;
	s1 =	ssub.s32 $0x18, s2  }
0x6: {  	s15 =	simm.s32 $0x0;
	s18 =	simm.s32 $0x0;
	p0 =	sgt.s32 s1, $0x0  }
0x7: {  	s16 =	simm.s32 $0x0;
	s10 =	simm.s32 $0x0;
	s1 =	simm.s32 @!p0 $0x0  }
.Ltmp0:
0x8: {  	s11 =	simm.s32 $0x0;
	s4 =	sadd.s32 $0x1F, s1;
	(pc) =	sbr.rel .LBB1_1-.Ltmp0, $4  }
0x9: {  	s12 =	simm.s32 $0x0;
	s1 =	rddreg [dreg:$0x2];
	s5 =	sshrl.u32 s4, $0x5  }
0xa: {  	_ =	strace $0x8000004D;
	s4 =	simm.s32 $0x1;
	s5 =	smul.u32 $0x24, s5  }
0xb: {  	s14 =	simm.s32 $0x0;
	s6 =	sadd.s32 $0x4400, s6;
	[sflag:s4] =	ssyncpa.u1 $0x0  }
0xc: {  	s13 =	smov.u32 s2;
	[sflag:s7] =	ssyncpa.u1 $0x0;
	s7 =	sor.u32 $0x1, s5  }
.LBB1_7:
0xd: {  	s19 =	sadd.s32 $0x80, s10  }
0xe: {  	s15 =	sadd.s32 $0x20, s11;
	s20 =	smov.u32 s11;
	p1 =	sgt.s32 s19, $0x2FF  }
0xf: {  	s20 =	smov.u32 @p1 s15  }
0x10: {  	s21 =	smov.u32 s12;
	s15 =	sadd.s32 $0x4, s12;
	p2 =	sgt.s32 s20, $0x1F  }
0x11: {  	s21 =	smov.u32 @p2 s15  }
0x12: {  	s22 =	smov.u32 s13;
	s15 =	sadd.s32 $0x20, s13;
	p3 =	sgt.s32 s21, $0x17  }
0x13: {  	p0 =	slt.u32 s14, $0x2;
	s22 =	smov.u32 @p3 s15  }
0x14: {  	s17 =	smov.u32 s10;
	s19 =	simm.s32 @p1 $0x0;
	p1 =	sgt.s32 s22, $0x17  }
0x15: {  	s23 =	simm.s32 @!p0 $0x2;
	s22 =	smov.u32 @p1 s2;
	p1 =	sne.s32 s14, s7  }
.Ltmp1:
0x16: {  	s18 =	smov.u32 s12;
	_ =	swait.ge @!p0 [sflag:s23], $0x4000;
	(pc) =	sbr.rel @!p1 .LBB1_8-.Ltmp1, $4  }
0x17: {  	s16 =	smov.u32 s13;
	s9 =	sadd.s32 $0x4000, s9;
	[sflag:s23] =	ssyncset.done @!p0 $0x0  }
0x18: {  	s10 =	smov.u32 s19;
	s20 =	simm.s32 @p2 $0x0;
	[sflag:s23] =	ssyncadd.s32 @!p0 $0xFFFFC000  }
0x19: {  	s21 =	simm.s32 @p3 $0x0;
	s15 =	smov.u32 s11;
	s11 =	smov.u32 s20  }
0x1a: {  	s12 =	smov.u32 s21;
	s14 =	sadd.s32 $0x1, s14;
	s13 =	smov.u32 s22  }
.LBB1_1:
0x1b: {  	p0 =	sge.u32 s14, s5  }
0x1c: {  	s19 =	sshrl.u32 @!p0 s11, $0x3  }
0x1d: {  	s20 =	sshll.u32 @!p0 s10, $0x3;
	s19 =	smul.u32 @!p0 $0x1800, s19  }
0x1e: {  	s21 =	sshll.u32 @!p0 s11, $0x7;
	s20 =	sand.u32 @!p0 $0xFFFFFC00, s20  }
0x1f: {  	s19 =	sadd.s32 @!p0 s19, s20;
	s20 =	sand.u32 @!p0 $0x380, s21  }
0x20: {  	s21 =	sand.u32 @!p0 $0x7F, s10;
	s19 =	sor.u32 @!p0 s20, s19  }
0x21: {  	s20 =	sor.u32 @!p0 s21, s19  }
0x22: {  	s21 =	smulhi.u32 @!p0 $0xAAAAAAAB, s20  }
0x23: {  	s19 =	smulhi.u32 @!p0 $0xAAAAAAAB, s19  }
0x24: {  	s31 =	sadd.s32 $0xFFFFFFFF, s14;
	s23 =	smul.u32 @!p0 $0x12000, s13;
	s21 =	sshrl.u32 @!p0 s21, $0x9  }
0x25: {  	s22 =	sxor.u32 @!p0 $0xFFFFFFFF, s14;
	s19 =	sshrl.u32 @!p0 s19, $0x9;
	s21 =	smul.u32 @!p0 $0x300, s21  }
0x26: {  	s24 =	smul.u32 @!p0 $0xC00, s12;
	s22 =	sshll.u32 @!p0 s22, $0xE;
	s19 =	sand.u32 @!p0 $0x1F, s19  }
0x27: {  	s19 =	smul.u32 @!p0 $0x60, s19;
	s20 =	ssub.s32 @!p0 s20, s21;
	s21 =	sadd.s32 @!p0 s6, s23  }
0x28: {  	s22 =	sand.u32 @!p0 $0x4000, s22;
	s21 =	sadd.s32 @!p0 s24, s21;
	s23 =	sand.u32 @!p0 $0x7, s20  }
0x29: {  	s20 =	sshrl.u32 @!p0 s20, $0x3;
	s19 =	sadd.s32 @!p0 s19, s21;
	s21 =	sshll.u32 @!p0 s23, $0x12  }
0x2a: {  	s19 =	sadd.s32 @!p0 s20, s19;
	s20 =	sor.u32 @!p0 $0x400, s21;
	s21 =	simm.s32 @!p0 $0x1800  }
0x2b: {  	[tilespmem:s22], [sflag:$0x1] =	stream.strided.gather @!p0 [hbm4b:s19+s20], $0x4000, s21, s20, $0x38;
	[tilespmem:$0x10000] =	vst v63  }
0x2c: {  	p0 =	sge.u32 s31, s5  }
.Ltmp2:
0x2d: {  	_ = 	snop;
	(pc) =	sbr.rel @p0 .LBB1_7-.Ltmp2, $1  }
0x2e: {  	_ =	sdelay $0x3  }
0x2f: {  	s19 =	sand.u32 $0x4000, s9  }
0x30: {  	_ =	swait.ge [sflag:s4], $0x4000;
	s22 =	sshll.u32 s14, $0xE;
	s20 =	sor.u32 $0x8040, s19  }
0x31: {  	s21 =	sor.u32 $0x40, s19;
	[sflag:s4] =	ssyncset.done $0x0;
	s31 =	sand.u32 $0x4000, s22  }
0x32: {  	s22 =	simm.s32 $0x0;
	[sflag:s4] =	ssyncadd.s32 $0xFFFFC000;
	s19 =	sor.u32 $0x8000, s31  }
.LBB1_3:
0x33: {  	v0 =	vmov s21;
	_ =	sdelay $0x3  }
0x34: {  	s24 =	simm.s32 $0x0  }
0x35: {  	v6 =	vld.idx.msk [tilespmem:v0+s24+$0x30 ss:$0x1], $0xffff  }
0x36: {  	v7 =	vld.idx.msk [tilespmem:v0+s24+$0xFFFFFFC0 ss:$0x1], $0xffff  }
0x37: {  	v5 =	vld.idx.msk [tilespmem:v0+s24+$0xFFFFFFD0 ss:$0x1], $0xffff  }
0x38: {  	v4 =	vld.idx.msk [tilespmem:v0+s24+$0xFFFFFFE0 ss:$0x1], $0xffff  }
0x39: {  	v3 =	vld.idx.msk [tilespmem:v0+s24+$0xFFFFFFF0 ss:$0x1], $0xffff  }
0x3a: {  	v1 =	vld.idx.msk [tilespmem:v0+s24+$0x0 ss:$0x1], $0xffff  }
0x3b: {  	v2 =	vld.idx.msk [tilespmem:v0+s24+$0x10 ss:$0x1], $0xffff;
	[tilespmem:s20+$0x30] =	vst v6  }
0x3c: {  	s23 =	simm.s32 $0x80;
	s25 =	simm.s32 $0x400;
	[tilespmem:s20+$0xFFFFFFC0] =	vst v7;
	v6 =	vld.idx.msk [tilespmem:v0+s24+$0x20 ss:$0x1], $0xffff;
	s24 =	smov.u32 s20  }
.LBB1_4:
0x3d: {  	p0 =	sne.s32 s25, $0x3E00;
	v7 =	vld.idx.msk [tilespmem:v0+s23+$0x30 ss:$0x1], $0xffff;
	[tilespmem:s24+$0xFFFFFFD0] =	vst v5  }
0x3e: {  	v8 =	vld.idx.msk [tilespmem:v0+s23+$0xFFFFFFC0 ss:$0x1], $0xffff;
	[tilespmem:s24+$0xFFFFFFE0] =	vst v4  }
0x3f: {  	v5 =	vld.idx.msk [tilespmem:v0+s23+$0xFFFFFFD0 ss:$0x1], $0xffff;
	[tilespmem:s24+$0xFFFFFFF0] =	vst v3  }
.Ltmp3:
0x40: {  	v4 =	vld.idx.msk [tilespmem:v0+s23+$0xFFFFFFE0 ss:$0x1], $0xffff;
	[tilespmem:s24+$0x0] =	vst v1;
	(pc) =	sbr.rel @p0 .LBB1_4-.Ltmp3, $4  }
0x41: {  	v3 =	vld.idx.msk [tilespmem:v0+s23+$0xFFFFFFF0 ss:$0x1], $0xffff;
	[tilespmem:s24+$0x10] =	vst v2  }
0x42: {  	v1 =	vld.idx.msk [tilespmem:v0+s23+$0x0 ss:$0x1], $0xffff;
	[tilespmem:s24+$0x20] =	vst v6;
	s24 =	sadd.s32 $0x200, s24  }
0x43: {  	v2 =	vld.idx.msk [tilespmem:v0+s23+$0x10 ss:$0x1], $0xffff;
	[tilespmem:s24+$0x30] =	vst v7  }
0x44: {  	[tilespmem:s24+$0xFFFFFFC0] =	vst v8;
	v6 =	vld.idx.msk [tilespmem:v0+s23+$0x20 ss:$0x1], $0xffff;
	s23 =	sshra.s32 s25, $0x2;
	s25 =	sadd.s32 $0x200, s25  }
0x45: {  	_ =	sdelay $0x2  }
0x46: {  	[tilespmem:s24+$0xFFFFFFD0] =	vst v5  }
0x47: {  	v56 =	vld.idx.msk [tilespmem:v0+s23+$0x30 ss:$0x1], $0xffff;
	[tilespmem:s24+$0xFFFFFFE0] =	vst v4  }
0x48: {  	v57 =	vld.idx.msk [tilespmem:v0+s23+$0xFFFFFFC0 ss:$0x1], $0xffff;
	[tilespmem:s24+$0xFFFFFFF0] =	vst v3  }
0x49: {  	v58 =	vld.idx.msk [tilespmem:v0+s23+$0xFFFFFFD0 ss:$0x1], $0xffff;
	[tilespmem:s24+$0x0] =	vst v1  }
0x4a: {  	v59 =	vld.idx.msk [tilespmem:v0+s23+$0xFFFFFFE0 ss:$0x1], $0xffff;
	[tilespmem:s24+$0x10] =	vst v2  }
0x4b: {  	v60 =	vld.idx.msk [tilespmem:v0+s23+$0xFFFFFFF0 ss:$0x1], $0xffff;
	s31 =	sadd.s32 $0x200, s24;
	[tilespmem:s24+$0x20] =	vst v6  }
0x4c: {  	v61 =	vld.idx.msk [tilespmem:v0+s23+$0x0 ss:$0x1], $0xffff;
	[tilespmem:s31+$0x30] =	vst v56  }
0x4d: {  	v62 =	vld.idx.msk [tilespmem:v0+s23+$0x10 ss:$0x1], $0xffff;
	s22 =	sadd.s32 $0x1, s22;
	[tilespmem:s31+$0xFFFFFFC0] =	vst v57  }
0x4e: {  	v63 =	vld.idx.msk [tilespmem:v0+s23+$0x20 ss:$0x1], $0xffff;
	p0 =	sne.s32 s22, $0x4;
	[tilespmem:s31+$0xFFFFFFD0] =	vst v58  }
.Ltmp4:
0x4f: {  	[tilespmem:s31+$0xFFFFFFE0] =	vst v59;
	(pc) =	sbr.rel @p0 .LBB1_3-.Ltmp4, $4  }
0x50: {  	[tilespmem:s31+$0xFFFFFFF0] =	vst v60  }
0x51: {  	[tilespmem:s31+$0x0] =	vst v61  }
0x52: {  	[tilespmem:s31+$0x10] =	vst v62  }
0x53: {  	s20 =	sadd.s32 $0x80, s20;
	s21 =	sadd.s32 $0x1000, s21;
	[tilespmem:s31+$0x20] =	vst v63  }
0x54: {  	s20 =	sshrl.u32 s18, $0x3  }
0x55: {  	s21 =	sshll.u32 s17, $0x3;
	s20 =	smul.u32 $0x1800, s20  }
0x56: {  	s27 =	sshll.u32 s18, $0x7;
	s21 =	sand.u32 $0xFFFFFC00, s21  }
0x57: {  	s18 =	sand.u32 $0x380, s27;
	s20 =	sadd.s32 s20, s21  }
0x58: {  	s28 =	sand.u32 $0x7F, s17;
	s18 =	sor.u32 s18, s20  }
0x59: {  	s17 =	sor.u32 s28, s18;
	s18 =	smulhi.u32 $0xAAAAAAAB, s18;
	_ =	sdelay $0x1  }
0x5a: {  	s16 =	smul.u32 $0x900, s16;
	s18 =	sshrl.u32 s18, $0x9  }
0x5b: {  	s30 =	smulhi.u32 $0xAAAAAAB, s18  }
0x5c: {  	s29 =	smulhi.u32 $0xAAAAAAAB, s17  }
0x5d: {  	s21 =	smul.u32 $0x18, s30  }
0x5e: {  	s15 =	smul.u32 $0xD800, s15;
	s20 =	sshrl.u32 s29, $0x9  }
0x5f: {  	s20 =	smul.u32 $0x300, s20;
	s18 =	ssub.s32 s18, s21  }
0x60: {  	s18 =	smul.u32 $0x60, s18  }
.Ltmp5:
0x61: {  	s16 =	sadd.s32 s3, s16;
	s17 =	ssub.s32 s17, s20;
	(pc) =	sbr.rel .LBB1_7-.Ltmp5, $4  }
0x62: {  	s15 =	sadd.s32 s15, s16;
	s31 =	sand.u32 $0x7, s17  }
0x63: {  	s17 =	sshrl.u32 s17, $0x3;
	s16 =	sshll.u32 s31, $0x12;
	s15 =	sadd.s32 s18, s15  }
0x64: {  	s16 =	sor.u32 $0x200, s16;
	s15 =	sadd.s32 s17, s15  }
0x65: {  	[hbm4b:s15+s16] =	stream.strided.scatter [tilespmem:s19], [sflag:$0x2], $0x4000, s8, s16, $0x38;
	[tilespmem:$0x10000] =	vst v63  }
.LBB1_8:
0x66: {  	_ =	sfence.sel $0x180000  }
0x67: {  	s2 =	simm.s32 $0x1;
	[bflag:$0x0] =	sbarrier.arrive $0xFFFF  }
0x68: {  	s31 =	simm.s32 $0x2;
	[sflag:s2] =	ssyncpa.u1 $0x1  }
0x69: {  	[sflag:s31] =	ssyncpa.u1 $0x1  }
0x6a: {  	p0 =	sne.s32 s0, $0x0;
	_ =	strace $0x9000004D  }
0x6b: {  	s0 =	sadd.s32 @!p0 $0x100000, s1;
	[bflag:$0x2] =	sbarrier.arrive $0xFFFF  }
0x6c: {  	[sflag:s0] =	ssyncadd.tile.s32 @!p0 $0x1;
	_ =	shalt  }
.Lfunc_end1:
_tile_overlayer_lowered:
.L_overlay_start_2:
0x6d: {  	(tag) =	ssettag $0x2  }
0x6e: {  	s0 =	rddreg [dreg:$0x0];
	s2 =	stileid.u32  }
0x6f: {  	s1 =	rddreg [dreg:$0x1];
	p0 =	sne.s32 s2, $0x0  }
0x70: {  	s3 =	rddreg [dreg:$0x2];
	[bflag:$0x3] =	sbarrier.arrive $0xFFFF;
	s2 =	simm.s32 @!p0 $0x1C01  }
0x71: {  	[timem:s3], [sflag:s2] =	dma.local @!p0 [hbm:s0], s1  }
0x72: {  	s0 =	simm.s32 @!p0 $0x1  }
0x73: {  	_ =	swait.ge @!p0 [sflag:s0], s1  }
0x74: {  	s1 =	ssub.s32 @!p0 $0x0, s1;
	[sflag:s0] =	ssyncset.done @!p0 $0x0  }
0x75: {  	[sflag:s0] =	ssyncadd.s32 @!p0 s1  }
0x76: {  	[bflag:$0x3] =	sbarrier.arrive $0xFFFF  }
0x77: {  	_ =	shalt  }

</sc_bundles>
